<compile_context>
chip_gen: v7x
topology: tpu7x:2x2x1
jax: 0.10.2.dev20260603
libtpu: 0.0.44.dev20260713+nightly
codegen_flags: <defaults>
</compile_context>

<pallas_src>
import functools

import jax
import jax.numpy as jnp
from jax import lax
from jax.experimental import pallas as pl
from jax.experimental.pallas import tpu as pltpu
from jax.experimental.pallas import tpu_sc as plsc

_B = 16
_G = 32768
_S = 256
_L = 16
_NC = 2
_SPW = 128


def _sc_body(eid_hbm, llu_hbm, iy_hbm, elog_hbm, out_hbm,
             idx_v, glog_v, llu_v,
             iy_v, grow_v, llu_s, eid_s, glog_s, out_v,
             sem_g, sem_lin):
    c = lax.axis_index("c")
    s = lax.axis_index("s")
    g = s * _NC + c
    base = g * _G

    @pl.when(s < 8)
    def _active():
        _work(g, base, eid_hbm, llu_hbm, iy_hbm, elog_hbm, out_hbm,
              idx_v, glog_v, llu_v,
              iy_v, grow_v, llu_s, eid_s, glog_s, out_v,
              sem_g, sem_lin)


def _work(g, base, eid_hbm, llu_hbm, iy_hbm, elog_hbm, out_hbm,
          idx_v, glog_v, llu_v,
          iy_v, grow_v, llu_s, eid_s, glog_s, out_v,
          sem_g, sem_lin):

    llu_cp = pltpu.make_async_copy(
        llu_hbm.at[pl.ds(base, _G)], llu_v, sem_lin)
    llu_cp.start()
    pltpu.sync_copy(eid_hbm.at[pl.ds(base, _G)], idx_v)

    gcp = pltpu.make_async_copy(elog_hbm.at[idx_v], glog_v, sem_g)
    gcp.start()
    gcp.wait()
    llu_cp.wait()

    def p1(k, mrun):
        z = glog_v[pl.ds(k * _L, _L)] + llu_v[pl.ds(k * _L, _L)]
        glog_v[pl.ds(k * _L, _L)] = z
        return jnp.maximum(mrun, z)

    mrun = lax.fori_loop(0, _G // _L, p1,
                         jnp.full((_L,), -jnp.inf, jnp.float32))
    mg = jnp.full((_L,), jnp.max(mrun), jnp.float32)

    def p2(k, acc):
        return acc + jnp.exp(glog_v[pl.ds(k * _L, _L)] - mg)

    seacc = lax.fori_loop(0, _G // _L, p2, jnp.zeros((_L,), jnp.float32))
    seg = jnp.full((_L,), jnp.sum(seacc), jnp.float32)

    for half in range(_S // _SPW):
        r0 = g * _S + half * _SPW
        pltpu.sync_copy(iy_hbm.at[pl.ds(r0, _SPW)], iy_v)
        for k in range(_SPW // _L):
            grow_v[pl.ds(k * _L, _L)] = iy_v[pl.ds(k * _L, _L)] + base
        c1 = pltpu.make_async_copy(llu_hbm.at[grow_v], llu_s, sem_g)
        c2 = pltpu.make_async_copy(eid_hbm.at[grow_v], eid_s, sem_g)
        c1.start()
        c2.start()
        c1.wait()
        c2.wait()
        c3 = pltpu.make_async_copy(elog_hbm.at[eid_s], glog_s, sem_g)
        c3.start()
        c3.wait()

        for k in range(_SPW // _L):
            z = glog_s[pl.ds(k * _L, _L)] + llu_s[pl.ds(k * _L, _L)]
            y = jnp.exp(z - mg) / seg
            out_v[pl.ds(k * _L, _L)] = (1.0 - y) + y
        pltpu.sync_copy(out_v, out_hbm.at[pl.ds(r0, _SPW)])


def _run(eid, llu, iy, elog):
    mesh = plsc.VectorSubcoreMesh(core_axis_name="c", subcore_axis_name="s")
    f = functools.partial(
        pl.kernel,
        out_type=jax.ShapeDtypeStruct((_B * _S,), jnp.float32),
        mesh=mesh,
        compiler_params=pltpu.CompilerParams(needs_layout_passes=False),
        scratch_types=[
            pltpu.VMEM((_G,), jnp.int32),
            pltpu.VMEM((_G,), jnp.float32),
            pltpu.VMEM((_G,), jnp.float32),
            pltpu.VMEM((_SPW,), jnp.int32),
            pltpu.VMEM((_SPW,), jnp.int32),
            pltpu.VMEM((_SPW,), jnp.float32),
            pltpu.VMEM((_SPW,), jnp.int32),
            pltpu.VMEM((_SPW,), jnp.float32),
            pltpu.VMEM((_SPW,), jnp.float32),
            pltpu.SemaphoreType.DMA,
            pltpu.SemaphoreType.DMA,
        ],
    )(_sc_body)
    return f(eid, llu, iy, elog)


def kernel(inputs, loglog_u, y_indices, edges_logits):
    edge_id = inputs[:, 1]
    idx_for_y = y_indices[:, 1]
    return _run(edge_id, loglog_u, idx_for_y, edges_logits)

# --- scband reference (transcript-rebuilt; emitter-appended) ---
"""Pipeline reference for scband-sampler-38439957299356 (READ-ONLY COPY).

The authoritative reference and input builder live on the scoring server;
editing this copy changes nothing except your own understanding.
"""

import jax, jax.numpy as jnp
import numpy as np

N_FULL_EDGES = 3200000
B = 16          # batch_size (number of eg_idx groups)
G = 32768       # candidate edges per group -> 524288 total
S = 256         # sampled edges per group -> 4096 total
TEMPERATURE = 1.0


def setup_inputs(seed: int = 0) -> dict:
    key = jax.random.key(seed)
    k1, k2, k3, k4 = jax.random.split(key, 4)
    # candidate edges: (eg_idx, edge_id), grouped (sorted) by eg_idx
    eg_idx = jnp.repeat(jnp.arange(B, dtype=jnp.int32), G)
    edge_id = jax.random.randint(k1, (B * G,), 0, N_FULL_EDGES, dtype=jnp.int32)
    inputs = jnp.stack([eg_idx, edge_id], axis=1)
    # loglog_u: gumbel noise -log(-log(u))
    u = jax.random.uniform(k2, (B * G,), minval=1e-6, maxval=1.0 - 1e-6)
    loglog_u = -jnp.log(-jnp.log(u))
    # sampled edge indices: (eg_idx, idx_for_y) with idx_for_y indexing into the
    # per-group candidate list (length G)
    eg_idx_y = jnp.repeat(jnp.arange(B, dtype=jnp.int32), S)
    idx_for_y = jax.random.randint(k3, (B * S,), 0, G, dtype=jnp.int32)
    y_indices = jnp.stack([eg_idx_y, idx_for_y], axis=1)
    # learned parameter: edges_logits, initialized to negative log-prob style values
    edges_logits = -jax.random.uniform(k4, (N_FULL_EDGES,), minval=5.0, maxval=15.0, dtype=jnp.float32)
    return {"inputs": inputs, "loglog_u": loglog_u, "y_indices": y_indices, "edges_logits": edges_logits}


def _gumbel_softmax(logits, llu, idx, temperature=TEMPERATURE, hard=True):
    y = logits + llu
    y = jax.nn.softmax(y / temperature)
    y = jnp.take(y, idx, axis=0)
    if hard:
        y_hard = jnp.ones_like(y)
        y = jax.lax.stop_gradient(y_hard - y) + y
    return y


def reference(inputs, loglog_u, y_indices, edges_logits):
    eg_idx = inputs[:, 0]
    edge_id = inputs[:, 1]
    logits = jnp.take(edges_logits, edge_id, axis=0)
    eg_idx_for_y = y_indices[:, 0]
    idx_for_y = y_indices[:, 1]
    batch_size = inputs.shape[0] // G
    order = jnp.argsort(eg_idx, stable=True)
    order_y = jnp.argsort(eg_idx_for_y, stable=True)
    llu_g = jnp.take(loglog_u, order, axis=0).reshape(batch_size, G)
    lg_g = jnp.take(logits, order, axis=0).reshape(batch_size, G)
    iy_g = jnp.take(idx_for_y, order_y, axis=0).reshape(batch_size, S)
    y = jax.vmap(_gumbel_softmax)(lg_g, llu_g, iy_g)
    out = jnp.reshape(y, (-1,))
    return out

if __name__ == "__main__":
    import jax
    _d = setup_inputs()
    print(jax.jit(kernel)(*tuple(_d.values())))

</pallas_src>

<mosaic_0001>
#map = affine_map<(d0, d1) -> (0)>
module attributes {stable_mosaic.version = 14 : i64} {
  func.func @_sc_body(%arg0: i32, %arg1: i32, %arg2: memref<524288xi32, #tpu.memory_space<hbm>>, %arg3: memref<524288xf32, #tpu.memory_space<hbm>>, %arg4: memref<4096xi32, #tpu.memory_space<hbm>>, %arg5: memref<3200000xf32, #tpu.memory_space<hbm>>, %arg6: memref<4096xf32, #tpu.memory_space<hbm>>, %arg7: memref<32768xi32, #tpu.memory_space<vmem>>, %arg8: memref<32768xf32, #tpu.memory_space<vmem>>, %arg9: memref<32768xf32, #tpu.memory_space<vmem>>, %arg10: memref<128xi32, #tpu.memory_space<vmem>>, %arg11: memref<128xi32, #tpu.memory_space<vmem>>, %arg12: memref<128xf32, #tpu.memory_space<vmem>>, %arg13: memref<128xi32, #tpu.memory_space<vmem>>, %arg14: memref<128xf32, #tpu.memory_space<vmem>>, %arg15: memref<128xf32, #tpu.memory_space<vmem>>, %arg16: memref<!tpu.dma_semaphore, #tpu.memory_space<semaphore_mem>>, %arg17: memref<!tpu.dma_semaphore, #tpu.memory_space<semaphore_mem>>) attributes {dimension_semantics = [#tpu.dimension_semantics<core_parallel>, #tpu.dimension_semantics<subcore_parallel>], iteration_bounds = array<i64: 2, 16>, scalar_prefetch = 0 : i64, scratch_operands = 11 : i64, tpu.core_type = #tpu.core_type<sc_vector_subcore>, window_params = [{transform_indices = #map}, {transform_indices = #map}, {transform_indices = #map}, {transform_indices = #map}, {transform_indices = #map}]} {
    %mul3A = arith.constant 2 : i32
    %mul3A_0 = arith.muli %arg1, %mul3A : i32
    %add3A = arith.addi %mul3A_0, %arg0 : i32
    %mul3A_1 = arith.constant 32768 : i32
    %mul3A_2 = arith.muli %add3A, %mul3A_1 : i32
    %lt3A = arith.constant 8 : i32
    %lt3A_3 = arith.cmpi slt, %arg1, %lt3A : i32
    %convert_element_type3A = arith.extui %lt3A_3 : i1 to i32
    %cond3A = arith.constant 0 : i32
    %cond3A_4 = arith.cmpi ne, %convert_element_type3A, %cond3A : i32
    scf.if %cond3A_4 {
      %dma_start3A = tpu.memref_slice %arg3[%mul3A_2] : memref<524288xf32, #tpu.memory_space<hbm>> -> memref<32768xf32, #tpu.memory_space<hbm>>
      %dma_start3A_5 = tpu.memref_slice %arg3[%mul3A_2] : memref<524288xf32, #tpu.memory_space<hbm>> -> memref<32768xf32, #tpu.memory_space<hbm>>
      tpu.enqueue_dma source(%dma_start3A_5 : memref<32768xf32, #tpu.memory_space<hbm>>) target(%arg9 : memref<32768xf32, #tpu.memory_space<vmem>>) target_semaphore(%arg17 : memref<!tpu.dma_semaphore, #tpu.memory_space<semaphore_mem>>)
      "tpu.region"() ({
        %run_scoped3A = tpu.sem_alloc : memref<!tpu.dma_semaphore, #tpu.memory_space<semaphore_mem>>
        %dma_start3A_380 = tpu.memref_slice %arg2[%mul3A_2] : memref<524288xi32, #tpu.memory_space<hbm>> -> memref<32768xi32, #tpu.memory_space<hbm>>
        %dma_start3A_381 = tpu.memref_slice %arg2[%mul3A_2] : memref<524288xi32, #tpu.memory_space<hbm>> -> memref<32768xi32, #tpu.memory_space<hbm>>
        tpu.enqueue_dma source(%dma_start3A_381 : memref<32768xi32, #tpu.memory_space<hbm>>) target(%arg7 : memref<32768xi32, #tpu.memory_space<vmem>>) target_semaphore(%run_scoped3A : memref<!tpu.dma_semaphore, #tpu.memory_space<semaphore_mem>>)
        %dma_wait3A_382 = tpu.memref_slice %arg2[%mul3A_2] : memref<524288xi32, #tpu.memory_space<hbm>> -> memref<32768xi32, #tpu.memory_space<hbm>>
        %dma_wait3A_383 = tpu.memref_slice %arg2[%mul3A_2] : memref<524288xi32, #tpu.memory_space<hbm>> -> memref<32768xi32, #tpu.memory_space<hbm>>
        tpu.wait_dma2 semaphore(%run_scoped3A : memref<!tpu.dma_semaphore, #tpu.memory_space<semaphore_mem>>) src(%dma_wait3A_383 : memref<32768xi32, #tpu.memory_space<hbm>>) dst(%arg7 : memref<32768xi32, #tpu.memory_space<vmem>>)
        tpu.yield
      }) : () -> ()
      %dma_start3A_6 = arith.constant 0 : i32
      %dma_start3A_7 = tpu.memref_slice %arg5[%dma_start3A_6] : memref<3200000xf32, #tpu.memory_space<hbm>> -> memref<3200000xf32, #tpu.memory_space<hbm>>
      tpu.enqueue_indirect_dma source(%dma_start3A_7 : memref<3200000xf32, #tpu.memory_space<hbm>>) target(%arg8 : memref<32768xf32, #tpu.memory_space<vmem>>) offsets(%arg7 : memref<32768xi32, #tpu.memory_space<vmem>>) semaphore(%arg16 : memref<!tpu.dma_semaphore, #tpu.memory_space<semaphore_mem>>)
      %dma_wait3A = arith.constant 0 : i32
      %dma_wait3A_8 = tpu.memref_slice %arg5[%dma_wait3A] : memref<3200000xf32, #tpu.memory_space<hbm>> -> memref<3200000xf32, #tpu.memory_space<hbm>>
      tpu.wait_indirect_dma semaphore(%arg16 : memref<!tpu.dma_semaphore, #tpu.memory_space<semaphore_mem>>) src(%dma_wait3A_8 : memref<3200000xf32, #tpu.memory_space<hbm>>) dst(%arg8 : memref<32768xf32, #tpu.memory_space<vmem>>)
      %dma_wait3A_9 = tpu.memref_slice %arg3[%mul3A_2] : memref<524288xf32, #tpu.memory_space<hbm>> -> memref<32768xf32, #tpu.memory_space<hbm>>
      %dma_wait3A_10 = tpu.memref_slice %arg3[%mul3A_2] : memref<524288xf32, #tpu.memory_space<hbm>> -> memref<32768xf32, #tpu.memory_space<hbm>>
      tpu.wait_dma2 semaphore(%arg17 : memref<!tpu.dma_semaphore, #tpu.memory_space<semaphore_mem>>) src(%dma_wait3A_10 : memref<32768xf32, #tpu.memory_space<hbm>>) dst(%arg9 : memref<32768xf32, #tpu.memory_space<vmem>>)
      %broadcast_in_dim3A = arith.constant 0xFF800000 : f32
      %broadcast_in_dim3A_11 = vector.broadcast %broadcast_in_dim3A : f32 to vector<16xf32>
      %scan3A = arith.constant 0 : i32
      %scan3A_12 = arith.constant 2048 : i32
      %scan3A_13 = arith.addi %scan3A, %scan3A_12 : i32
      %scan3A_14 = arith.constant 1 : i32
      %scan3A_15 = scf.for %scan3A_380 = %scan3A to %scan3A_13 step %scan3A_14 iter_args(%scan3A_381 = %broadcast_in_dim3A_11) -> (vector<16xf32>)  : i32 {
        %mul3A_382 = arith.constant 16 : i32
        %mul3A_383 = arith.muli %scan3A_380, %mul3A_382 : i32
        %get3A_384 = arith.index_cast %mul3A_383 : i32 to index
        %get3A_385 = tpu.vector_load %arg8[%get3A_384] {strides = array<i32>} : memref<32768xf32, #tpu.memory_space<vmem>>, vector<16xf32>,
        %mul3A_386 = arith.constant 16 : i32
        %mul3A_387 = arith.muli %scan3A_380, %mul3A_386 : i32
        %get3A_388 = arith.index_cast %mul3A_387 : i32 to index
        %get3A_389 = tpu.vector_load %arg9[%get3A_388] {strides = array<i32>} : memref<32768xf32, #tpu.memory_space<vmem>>, vector<16xf32>,
        %add3A_390 = arith.addf %get3A_385, %get3A_389 : vector<16xf32>
        %mul3A_391 = arith.constant 16 : i32
        %mul3A_392 = arith.muli %scan3A_380, %mul3A_391 : i32
        %swap3A_393 = arith.index_cast %mul3A_392 : i32 to index
        %swap3A_394 = tpu.vector_load %arg8[%swap3A_393] {strides = array<i32>} : memref<32768xf32, #tpu.memory_space<vmem>>, vector<16xf32>,
        tpu.vector_store %arg8[%swap3A_393], %add3A_390 {strides = array<i32>} : memref<32768xf32, #tpu.memory_space<vmem>>, vector<16xf32>,
        %max3A = arith.maximumf %scan3A_381, %add3A_390 : vector<16xf32>
        scf.yield %max3A : vector<16xf32>
      }
      %scan3A_16 = arith.constant 2048 : i32
      %reduce_max3A = arith.constant true
      %reduce_max3A_17 = vector.broadcast %reduce_max3A : i1 to vector<16xi1>
      %reduce_max3A_18 = tpu.scan <max>, %scan3A_15 masked %reduce_max3A_17 : vector<16xf32>, vector<16xi1> -> vector<16xf32>
      %reduce_max3A_19 = vector.extract %reduce_max3A_18[15] : f32 from vector<16xf32>
      %broadcast_in_dim3A_20 = vector.broadcast %reduce_max3A_19 : f32 to vector<16xf32>
      %broadcast_in_dim3A_21 = arith.constant 0.000000e+00 : f32
      %broadcast_in_dim3A_22 = vector.broadcast %broadcast_in_dim3A_21 : f32 to vector<16xf32>
      %scan3A_23 = arith.constant 0 : i32
      %scan3A_24 = arith.constant 2048 : i32
      %scan3A_25 = arith.addi %scan3A_23, %scan3A_24 : i32
      %scan3A_26 = arith.constant 1 : i32
      %scan3A_27 = scf.for %scan3A_380 = %scan3A_23 to %scan3A_25 step %scan3A_26 iter_args(%scan3A_381 = %broadcast_in_dim3A_22) -> (vector<16xf32>)  : i32 {
        %mul3A_382 = arith.constant 16 : i32
        %mul3A_383 = arith.muli %scan3A_380, %mul3A_382 : i32
        %get3A_384 = arith.index_cast %mul3A_383 : i32 to index
        %get3A_385 = tpu.vector_load %arg8[%get3A_384] {strides = array<i32>} : memref<32768xf32, #tpu.memory_space<vmem>>, vector<16xf32>,
        %sub3A_386 = arith.subf %get3A_385, %broadcast_in_dim3A_20 : vector<16xf32>
        %exp3A_387 = math.exp %sub3A_386 : vector<16xf32>
        %add3A_388 = arith.addf %scan3A_381, %exp3A_387 : vector<16xf32>
        scf.yield %add3A_388 : vector<16xf32>
      }
      %scan3A_28 = arith.constant 2048 : i32
      %reduce_sum3A = arith.constant true
      %reduce_sum3A_29 = vector.broadcast %reduce_sum3A : i1 to vector<16xi1>
      %reduce_sum3A_30 = tpu.scan <sum>, %scan3A_27 masked %reduce_sum3A_29 : vector<16xf32>, vector<16xi1> -> vector<16xf32>
      %reduce_sum3A_31 = vector.extract %reduce_sum3A_30[15] : f32 from vector<16xf32>
      %broadcast_in_dim3A_32 = vector.broadcast %reduce_sum3A_31 : f32 to vector<16xf32>
      %mul3A_33 = arith.constant 256 : i32
      %mul3A_34 = arith.muli %add3A, %mul3A_33 : i32
      %add3A_35 = arith.constant 0 : i32
      %add3A_36 = arith.addi %mul3A_34, %add3A_35 : i32
      "tpu.region"() ({
        %run_scoped3A = tpu.sem_alloc : memref<!tpu.dma_semaphore, #tpu.memory_space<semaphore_mem>>
        %dma_start3A_380 = tpu.memref_slice %arg4[%add3A_36] : memref<4096xi32, #tpu.memory_space<hbm>> -> memref<128xi32, #tpu.memory_space<hbm>>
        %dma_start3A_381 = tpu.memref_slice %arg4[%add3A_36] : memref<4096xi32, #tpu.memory_space<hbm>> -> memref<128xi32, #tpu.memory_space<hbm>>
        tpu.enqueue_dma source(%dma_start3A_381 : memref<128xi32, #tpu.memory_space<hbm>>) target(%arg10 : memref<128xi32, #tpu.memory_space<vmem>>) target_semaphore(%run_scoped3A : memref<!tpu.dma_semaphore, #tpu.memory_space<semaphore_mem>>)
        %dma_wait3A_382 = tpu.memref_slice %arg4[%add3A_36] : memref<4096xi32, #tpu.memory_space<hbm>> -> memref<128xi32, #tpu.memory_space<hbm>>
        %dma_wait3A_383 = tpu.memref_slice %arg4[%add3A_36] : memref<4096xi32, #tpu.memory_space<hbm>> -> memref<128xi32, #tpu.memory_space<hbm>>
        tpu.wait_dma2 semaphore(%run_scoped3A : memref<!tpu.dma_semaphore, #tpu.memory_space<semaphore_mem>>) src(%dma_wait3A_383 : memref<128xi32, #tpu.memory_space<hbm>>) dst(%arg10 : memref<128xi32, #tpu.memory_space<vmem>>)
        tpu.yield
      }) : () -> ()
      %get3A = arith.constant 0 : index
      %get3A_37 = tpu.vector_load %arg10[%get3A] {strides = array<i32>} : memref<128xi32, #tpu.memory_space<vmem>>, vector<16xi32>,
      %add3A_38 = vector.broadcast %mul3A_2 : i32 to vector<16xi32>
      %add3A_39 = arith.addi %get3A_37, %add3A_38 : vector<16xi32>
      %swap3A = arith.constant 0 : index
      %swap3A_40 = tpu.vector_load %arg11[%swap3A] {strides = array<i32>} : memref<128xi32, #tpu.memory_space<vmem>>, vector<16xi32>,
      tpu.vector_store %arg11[%swap3A], %add3A_39 {strides = array<i32>} : memref<128xi32, #tpu.memory_space<vmem>>, vector<16xi32>,
      %get3A_41 = arith.constant 16 : index
      %get3A_42 = tpu.vector_load %arg10[%get3A_41] {strides = array<i32>} : memref<128xi32, #tpu.memory_space<vmem>>, vector<16xi32>,
      %add3A_43 = vector.broadcast %mul3A_2 : i32 to vector<16xi32>
      %add3A_44 = arith.addi %get3A_42, %add3A_43 : vector<16xi32>
      %swap3A_45 = arith.constant 16 : index
      %swap3A_46 = tpu.vector_load %arg11[%swap3A_45] {strides = array<i32>} : memref<128xi32, #tpu.memory_space<vmem>>, vector<16xi32>,
      tpu.vector_store %arg11[%swap3A_45], %add3A_44 {strides = array<i32>} : memref<128xi32, #tpu.memory_space<vmem>>, vector<16xi32>,
      %get3A_47 = arith.constant 32 : index
      %get3A_48 = tpu.vector_load %arg10[%get3A_47] {strides = array<i32>} : memref<128xi32, #tpu.memory_space<vmem>>, vector<16xi32>,
      %add3A_49 = vector.broadcast %mul3A_2 : i32 to vector<16xi32>
      %add3A_50 = arith.addi %get3A_48, %add3A_49 : vector<16xi32>
      %swap3A_51 = arith.constant 32 : index
      %swap3A_52 = tpu.vector_load %arg11[%swap3A_51] {strides = array<i32>} : memref<128xi32, #tpu.memory_space<vmem>>, vector<16xi32>,
      tpu.vector_store %arg11[%swap3A_51], %add3A_50 {strides = array<i32>} : memref<128xi32, #tpu.memory_space<vmem>>, vector<16xi32>,
      %get3A_53 = arith.constant 48 : index
      %get3A_54 = tpu.vector_load %arg10[%get3A_53] {strides = array<i32>} : memref<128xi32, #tpu.memory_space<vmem>>, vector<16xi32>,
      %add3A_55 = vector.broadcast %mul3A_2 : i32 to vector<16xi32>
      %add3A_56 = arith.addi %get3A_54, %add3A_55 : vector<16xi32>
      %swap3A_57 = arith.constant 48 : index
      %swap3A_58 = tpu.vector_load %arg11[%swap3A_57] {strides = array<i32>} : memref<128xi32, #tpu.memory_space<vmem>>, vector<16xi32>,
      tpu.vector_store %arg11[%swap3A_57], %add3A_56 {strides = array<i32>} : memref<128xi32, #tpu.memory_space<vmem>>, vector<16xi32>,
      %get3A_59 = arith.constant 64 : index
      %get3A_60 = tpu.vector_load %arg10[%get3A_59] {strides = array<i32>} : memref<128xi32, #tpu.memory_space<vmem>>, vector<16xi32>,
      %add3A_61 = vector.broadcast %mul3A_2 : i32 to vector<16xi32>
      %add3A_62 = arith.addi %get3A_60, %add3A_61 : vector<16xi32>
      %swap3A_63 = arith.constant 64 : index
      %swap3A_64 = tpu.vector_load %arg11[%swap3A_63] {strides = array<i32>} : memref<128xi32, #tpu.memory_space<vmem>>, vector<16xi32>,
      tpu.vector_store %arg11[%swap3A_63], %add3A_62 {strides = array<i32>} : memref<128xi32, #tpu.memory_space<vmem>>, vector<16xi32>,
      %get3A_65 = arith.constant 80 : index
      %get3A_66 = tpu.vector_load %arg10[%get3A_65] {strides = array<i32>} : memref<128xi32, #tpu.memory_space<vmem>>, vector<16xi32>,
      %add3A_67 = vector.broadcast %mul3A_2 : i32 to vector<16xi32>
      %add3A_68 = arith.addi %get3A_66, %add3A_67 : vector<16xi32>
      %swap3A_69 = arith.constant 80 : index
      %swap3A_70 = tpu.vector_load %arg11[%swap3A_69] {strides = array<i32>} : memref<128xi32, #tpu.memory_space<vmem>>, vector<16xi32>,
      tpu.vector_store %arg11[%swap3A_69], %add3A_68 {strides = array<i32>} : memref<128xi32, #tpu.memory_space<vmem>>, vector<16xi32>,
      %get3A_71 = arith.constant 96 : index
      %get3A_72 = tpu.vector_load %arg10[%get3A_71] {strides = array<i32>} : memref<128xi32, #tpu.memory_space<vmem>>, vector<16xi32>,
      %add3A_73 = vector.broadcast %mul3A_2 : i32 to vector<16xi32>
      %add3A_74 = arith.addi %get3A_72, %add3A_73 : vector<16xi32>
      %swap3A_75 = arith.constant 96 : index
      %swap3A_76 = tpu.vector_load %arg11[%swap3A_75] {strides = array<i32>} : memref<128xi32, #tpu.memory_space<vmem>>, vector<16xi32>,
      tpu.vector_store %arg11[%swap3A_75], %add3A_74 {strides = array<i32>} : memref<128xi32, #tpu.memory_space<vmem>>, vector<16xi32>,
      %get3A_77 = arith.constant 112 : index
      %get3A_78 = tpu.vector_load %arg10[%get3A_77] {strides = array<i32>} : memref<128xi32, #tpu.memory_space<vmem>>, vector<16xi32>,
      %add3A_79 = vector.broadcast %mul3A_2 : i32 to vector<16xi32>
      %add3A_80 = arith.addi %get3A_78, %add3A_79 : vector<16xi32>
      %swap3A_81 = arith.constant 112 : index
      %swap3A_82 = tpu.vector_load %arg11[%swap3A_81] {strides = array<i32>} : memref<128xi32, #tpu.memory_space<vmem>>, vector<16xi32>,
      tpu.vector_store %arg11[%swap3A_81], %add3A_80 {strides = array<i32>} : memref<128xi32, #tpu.memory_space<vmem>>, vector<16xi32>,
      %dma_start3A_83 = arith.constant 0 : i32
      %dma_start3A_84 = tpu.memref_slice %arg3[%dma_start3A_83] : memref<524288xf32, #tpu.memory_space<hbm>> -> memref<524288xf32, #tpu.memory_space<hbm>>
      tpu.enqueue_indirect_dma source(%dma_start3A_84 : memref<524288xf32, #tpu.memory_space<hbm>>) target(%arg12 : memref<128xf32, #tpu.memory_space<vmem>>) offsets(%arg11 : memref<128xi32, #tpu.memory_space<vmem>>) semaphore(%arg16 : memref<!tpu.dma_semaphore, #tpu.memory_space<semaphore_mem>>)
      %dma_start3A_85 = arith.constant 0 : i32
      %dma_start3A_86 = tpu.memref_slice %arg2[%dma_start3A_85] : memref<524288xi32, #tpu.memory_space<hbm>> -> memref<524288xi32, #tpu.memory_space<hbm>>
      tpu.enqueue_indirect_dma source(%dma_start3A_86 : memref<524288xi32, #tpu.memory_space<hbm>>) target(%arg13 : memref<128xi32, #tpu.memory_space<vmem>>) offsets(%arg11 : memref<128xi32, #tpu.memory_space<vmem>>) semaphore(%arg16 : memref<!tpu.dma_semaphore, #tpu.memory_space<semaphore_mem>>)
      %dma_wait3A_87 = arith.constant 0 : i32
      %dma_wait3A_88 = tpu.memref_slice %arg3[%dma_wait3A_87] : memref<524288xf32, #tpu.memory_space<hbm>> -> memref<524288xf32, #tpu.memory_space<hbm>>
      tpu.wait_indirect_dma semaphore(%arg16 : memref<!tpu.dma_semaphore, #tpu.memory_space<semaphore_mem>>) src(%dma_wait3A_88 : memref<524288xf32, #tpu.memory_space<hbm>>) dst(%arg12 : memref<128xf32, #tpu.memory_space<vmem>>)
      %dma_wait3A_89 = arith.constant 0 : i32
      %dma_wait3A_90 = tpu.memref_slice %arg2[%dma_wait3A_89] : memref<524288xi32, #tpu.memory_space<hbm>> -> memref<524288xi32, #tpu.memory_space<hbm>>
      tpu.wait_indirect_dma semaphore(%arg16 : memref<!tpu.dma_semaphore, #tpu.memory_space<semaphore_mem>>) src(%dma_wait3A_90 : memref<524288xi32, #tpu.memory_space<hbm>>) dst(%arg13 : memref<128xi32, #tpu.memory_space<vmem>>)
      %dma_start3A_91 = arith.constant 0 : i32
      %dma_start3A_92 = tpu.memref_slice %arg5[%dma_start3A_91] : memref<3200000xf32, #tpu.memory_space<hbm>> -> memref<3200000xf32, #tpu.memory_space<hbm>>
      tpu.enqueue_indirect_dma source(%dma_start3A_92 : memref<3200000xf32, #tpu.memory_space<hbm>>) target(%arg14 : memref<128xf32, #tpu.memory_space<vmem>>) offsets(%arg13 : memref<128xi32, #tpu.memory_space<vmem>>) semaphore(%arg16 : memref<!tpu.dma_semaphore, #tpu.memory_space<semaphore_mem>>)
      %dma_wait3A_93 = arith.constant 0 : i32
      %dma_wait3A_94 = tpu.memref_slice %arg5[%dma_wait3A_93] : memref<3200000xf32, #tpu.memory_space<hbm>> -> memref<3200000xf32, #tpu.memory_space<hbm>>
      tpu.wait_indirect_dma semaphore(%arg16 : memref<!tpu.dma_semaphore, #tpu.memory_space<semaphore_mem>>) src(%dma_wait3A_94 : memref<3200000xf32, #tpu.memory_space<hbm>>) dst(%arg14 : memref<128xf32, #tpu.memory_space<vmem>>)
      %get3A_95 = arith.constant 0 : index
      %get3A_96 = tpu.vector_load %arg14[%get3A_95] {strides = array<i32>} : memref<128xf32, #tpu.memory_space<vmem>>, vector<16xf32>,
      %get3A_97 = arith.constant 0 : index
      %get3A_98 = tpu.vector_load %arg12[%get3A_97] {strides = array<i32>} : memref<128xf32, #tpu.memory_space<vmem>>, vector<16xf32>,
      %add3A_99 = arith.addf %get3A_96, %get3A_98 : vector<16xf32>
      %sub3A = arith.subf %add3A_99, %broadcast_in_dim3A_20 : vector<16xf32>
      %exp3A = math.exp %sub3A : vector<16xf32>
      %div3A = arith.divf %exp3A, %broadcast_in_dim3A_32 : vector<16xf32>
      %sub3A_100 = arith.constant 1.000000e+00 : f32
      %sub3A_101 = vector.broadcast %sub3A_100 : f32 to vector<16xf32>
      %sub3A_102 = arith.subf %sub3A_101, %div3A : vector<16xf32>
      %add3A_103 = arith.addf %sub3A_102, %div3A : vector<16xf32>
      %swap3A_104 = arith.constant 0 : index
      %swap3A_105 = tpu.vector_load %arg15[%swap3A_104] {strides = array<i32>} : memref<128xf32, #tpu.memory_space<vmem>>, vector<16xf32>,
      tpu.vector_store %arg15[%swap3A_104], %add3A_103 {strides = array<i32>} : memref<128xf32, #tpu.memory_space<vmem>>, vector<16xf32>,
      %get3A_106 = arith.constant 16 : index
      %get3A_107 = tpu.vector_load %arg14[%get3A_106] {strides = array<i32>} : memref<128xf32, #tpu.memory_space<vmem>>, vector<16xf32>,
      %get3A_108 = arith.constant 16 : index
      %get3A_109 = tpu.vector_load %arg12[%get3A_108] {strides = array<i32>} : memref<128xf32, #tpu.memory_space<vmem>>, vector<16xf32>,
      %add3A_110 = arith.addf %get3A_107, %get3A_109 : vector<16xf32>
      %sub3A_111 = arith.subf %add3A_110, %broadcast_in_dim3A_20 : vector<16xf32>
      %exp3A_112 = math.exp %sub3A_111 : vector<16xf32>
      %div3A_113 = arith.divf %exp3A_112, %broadcast_in_dim3A_32 : vector<16xf32>
      %sub3A_114 = arith.constant 1.000000e+00 : f32
      %sub3A_115 = vector.broadcast %sub3A_114 : f32 to vector<16xf32>
      %sub3A_116 = arith.subf %sub3A_115, %div3A_113 : vector<16xf32>
      %add3A_117 = arith.addf %sub3A_116, %div3A_113 : vector<16xf32>
      %swap3A_118 = arith.constant 16 : index
      %swap3A_119 = tpu.vector_load %arg15[%swap3A_118] {strides = array<i32>} : memref<128xf32, #tpu.memory_space<vmem>>, vector<16xf32>,
      tpu.vector_store %arg15[%swap3A_118], %add3A_117 {strides = array<i32>} : memref<128xf32, #tpu.memory_space<vmem>>, vector<16xf32>,
      %get3A_120 = arith.constant 32 : index
      %get3A_121 = tpu.vector_load %arg14[%get3A_120] {strides = array<i32>} : memref<128xf32, #tpu.memory_space<vmem>>, vector<16xf32>,
      %get3A_122 = arith.constant 32 : index
      %get3A_123 = tpu.vector_load %arg12[%get3A_122] {strides = array<i32>} : memref<128xf32, #tpu.memory_space<vmem>>, vector<16xf32>,
      %add3A_124 = arith.addf %get3A_121, %get3A_123 : vector<16xf32>
      %sub3A_125 = arith.subf %add3A_124, %broadcast_in_dim3A_20 : vector<16xf32>
      %exp3A_126 = math.exp %sub3A_125 : vector<16xf32>
      %div3A_127 = arith.divf %exp3A_126, %broadcast_in_dim3A_32 : vector<16xf32>
      %sub3A_128 = arith.constant 1.000000e+00 : f32
      %sub3A_129 = vector.broadcast %sub3A_128 : f32 to vector<16xf32>
      %sub3A_130 = arith.subf %sub3A_129, %div3A_127 : vector<16xf32>
      %add3A_131 = arith.addf %sub3A_130, %div3A_127 : vector<16xf32>
      %swap3A_132 = arith.constant 32 : index
      %swap3A_133 = tpu.vector_load %arg15[%swap3A_132] {strides = array<i32>} : memref<128xf32, #tpu.memory_space<vmem>>, vector<16xf32>,
      tpu.vector_store %arg15[%swap3A_132], %add3A_131 {strides = array<i32>} : memref<128xf32, #tpu.memory_space<vmem>>, vector<16xf32>,
      %get3A_134 = arith.constant 48 : index
      %get3A_135 = tpu.vector_load %arg14[%get3A_134] {strides = array<i32>} : memref<128xf32, #tpu.memory_space<vmem>>, vector<16xf32>,
      %get3A_136 = arith.constant 48 : index
      %get3A_137 = tpu.vector_load %arg12[%get3A_136] {strides = array<i32>} : memref<128xf32, #tpu.memory_space<vmem>>, vector<16xf32>,
      %add3A_138 = arith.addf %get3A_135, %get3A_137 : vector<16xf32>
      %sub3A_139 = arith.subf %add3A_138, %broadcast_in_dim3A_20 : vector<16xf32>
      %exp3A_140 = math.exp %sub3A_139 : vector<16xf32>
      %div3A_141 = arith.divf %exp3A_140, %broadcast_in_dim3A_32 : vector<16xf32>
      %sub3A_142 = arith.constant 1.000000e+00 : f32
      %sub3A_143 = vector.broadcast %sub3A_142 : f32 to vector<16xf32>
      %sub3A_144 = arith.subf %sub3A_143, %div3A_141 : vector<16xf32>
      %add3A_145 = arith.addf %sub3A_144, %div3A_141 : vector<16xf32>
      %swap3A_146 = arith.constant 48 : index
      %swap3A_147 = tpu.vector_load %arg15[%swap3A_146] {strides = array<i32>} : memref<128xf32, #tpu.memory_space<vmem>>, vector<16xf32>,
      tpu.vector_store %arg15[%swap3A_146], %add3A_145 {strides = array<i32>} : memref<128xf32, #tpu.memory_space<vmem>>, vector<16xf32>,
      %get3A_148 = arith.constant 64 : index
      %get3A_149 = tpu.vector_load %arg14[%get3A_148] {strides = array<i32>} : memref<128xf32, #tpu.memory_space<vmem>>, vector<16xf32>,
      %get3A_150 = arith.constant 64 : index
      %get3A_151 = tpu.vector_load %arg12[%get3A_150] {strides = array<i32>} : memref<128xf32, #tpu.memory_space<vmem>>, vector<16xf32>,
      %add3A_152 = arith.addf %get3A_149, %get3A_151 : vector<16xf32>
      %sub3A_153 = arith.subf %add3A_152, %broadcast_in_dim3A_20 : vector<16xf32>
      %exp3A_154 = math.exp %sub3A_153 : vector<16xf32>
      %div3A_155 = arith.divf %exp3A_154, %broadcast_in_dim3A_32 : vector<16xf32>
      %sub3A_156 = arith.constant 1.000000e+00 : f32
      %sub3A_157 = vector.broadcast %sub3A_156 : f32 to vector<16xf32>
      %sub3A_158 = arith.subf %sub3A_157, %div3A_155 : vector<16xf32>
      %add3A_159 = arith.addf %sub3A_158, %div3A_155 : vector<16xf32>
      %swap3A_160 = arith.constant 64 : index
      %swap3A_161 = tpu.vector_load %arg15[%swap3A_160] {strides = array<i32>} : memref<128xf32, #tpu.memory_space<vmem>>, vector<16xf32>,
      tpu.vector_store %arg15[%swap3A_160], %add3A_159 {strides = array<i32>} : memref<128xf32, #tpu.memory_space<vmem>>, vector<16xf32>,
      %get3A_162 = arith.constant 80 : index
      %get3A_163 = tpu.vector_load %arg14[%get3A_162] {strides = array<i32>} : memref<128xf32, #tpu.memory_space<vmem>>, vector<16xf32>,
      %get3A_164 = arith.constant 80 : index
      %get3A_165 = tpu.vector_load %arg12[%get3A_164] {strides = array<i32>} : memref<128xf32, #tpu.memory_space<vmem>>, vector<16xf32>,
      %add3A_166 = arith.addf %get3A_163, %get3A_165 : vector<16xf32>
      %sub3A_167 = arith.subf %add3A_166, %broadcast_in_dim3A_20 : vector<16xf32>
      %exp3A_168 = math.exp %sub3A_167 : vector<16xf32>
      %div3A_169 = arith.divf %exp3A_168, %broadcast_in_dim3A_32 : vector<16xf32>
      %sub3A_170 = arith.constant 1.000000e+00 : f32
      %sub3A_171 = vector.broadcast %sub3A_170 : f32 to vector<16xf32>
      %sub3A_172 = arith.subf %sub3A_171, %div3A_169 : vector<16xf32>
      %add3A_173 = arith.addf %sub3A_172, %div3A_169 : vector<16xf32>
      %swap3A_174 = arith.constant 80 : index
      %swap3A_175 = tpu.vector_load %arg15[%swap3A_174] {strides = array<i32>} : memref<128xf32, #tpu.memory_space<vmem>>, vector<16xf32>,
      tpu.vector_store %arg15[%swap3A_174], %add3A_173 {strides = array<i32>} : memref<128xf32, #tpu.memory_space<vmem>>, vector<16xf32>,
      %get3A_176 = arith.constant 96 : index
      %get3A_177 = tpu.vector_load %arg14[%get3A_176] {strides = array<i32>} : memref<128xf32, #tpu.memory_space<vmem>>, vector<16xf32>,
      %get3A_178 = arith.constant 96 : index
      %get3A_179 = tpu.vector_load %arg12[%get3A_178] {strides = array<i32>} : memref<128xf32, #tpu.memory_space<vmem>>, vector<16xf32>,
      %add3A_180 = arith.addf %get3A_177, %get3A_179 : vector<16xf32>
      %sub3A_181 = arith.subf %add3A_180, %broadcast_in_dim3A_20 : vector<16xf32>
      %exp3A_182 = math.exp %sub3A_181 : vector<16xf32>
      %div3A_183 = arith.divf %exp3A_182, %broadcast_in_dim3A_32 : vector<16xf32>
      %sub3A_184 = arith.constant 1.000000e+00 : f32
      %sub3A_185 = vector.broadcast %sub3A_184 : f32 to vector<16xf32>
      %sub3A_186 = arith.subf %sub3A_185, %div3A_183 : vector<16xf32>
      %add3A_187 = arith.addf %sub3A_186, %div3A_183 : vector<16xf32>
      %swap3A_188 = arith.constant 96 : index
      %swap3A_189 = tpu.vector_load %arg15[%swap3A_188] {strides = array<i32>} : memref<128xf32, #tpu.memory_space<vmem>>, vector<16xf32>,
      tpu.vector_store %arg15[%swap3A_188], %add3A_187 {strides = array<i32>} : memref<128xf32, #tpu.memory_space<vmem>>, vector<16xf32>,
      %get3A_190 = arith.constant 112 : index
      %get3A_191 = tpu.vector_load %arg14[%get3A_190] {strides = array<i32>} : memref<128xf32, #tpu.memory_space<vmem>>, vector<16xf32>,
      %get3A_192 = arith.constant 112 : index
      %get3A_193 = tpu.vector_load %arg12[%get3A_192] {strides = array<i32>} : memref<128xf32, #tpu.memory_space<vmem>>, vector<16xf32>,
      %add3A_194 = arith.addf %get3A_191, %get3A_193 : vector<16xf32>
      %sub3A_195 = arith.subf %add3A_194, %broadcast_in_dim3A_20 : vector<16xf32>
      %exp3A_196 = math.exp %sub3A_195 : vector<16xf32>
      %div3A_197 = arith.divf %exp3A_196, %broadcast_in_dim3A_32 : vector<16xf32>
      %sub3A_198 = arith.constant 1.000000e+00 : f32
      %sub3A_199 = vector.broadcast %sub3A_198 : f32 to vector<16xf32>
      %sub3A_200 = arith.subf %sub3A_199, %div3A_197 : vector<16xf32>
      %add3A_201 = arith.addf %sub3A_200, %div3A_197 : vector<16xf32>
      %swap3A_202 = arith.constant 112 : index
      %swap3A_203 = tpu.vector_load %arg15[%swap3A_202] {strides = array<i32>} : memref<128xf32, #tpu.memory_space<vmem>>, vector<16xf32>,
      tpu.vector_store %arg15[%swap3A_202], %add3A_201 {strides = array<i32>} : memref<128xf32, #tpu.memory_space<vmem>>, vector<16xf32>,
      "tpu.region"() ({
        %run_scoped3A = tpu.sem_alloc : memref<!tpu.dma_semaphore, #tpu.memory_space<semaphore_mem>>
        %dma_start3A_380 = tpu.memref_slice %arg6[%add3A_36] : memref<4096xf32, #tpu.memory_space<hbm>> -> memref<128xf32, #tpu.memory_space<hbm>>
        %dma_start3A_381 = tpu.memref_slice %arg6[%add3A_36] : memref<4096xf32, #tpu.memory_space<hbm>> -> memref<128xf32, #tpu.memory_space<hbm>>
        tpu.enqueue_dma source(%arg15 : memref<128xf32, #tpu.memory_space<vmem>>) target(%dma_start3A_381 : memref<128xf32, #tpu.memory_space<hbm>>) target_semaphore(%run_scoped3A : memref<!tpu.dma_semaphore, #tpu.memory_space<semaphore_mem>>)
        %dma_wait3A_382 = tpu.memref_slice %arg6[%add3A_36] : memref<4096xf32, #tpu.memory_space<hbm>> -> memref<128xf32, #tpu.memory_space<hbm>>
        %dma_wait3A_383 = tpu.memref_slice %arg6[%add3A_36] : memref<4096xf32, #tpu.memory_space<hbm>> -> memref<128xf32, #tpu.memory_space<hbm>>
        tpu.wait_dma2 semaphore(%run_scoped3A : memref<!tpu.dma_semaphore, #tpu.memory_space<semaphore_mem>>) src(%arg15 : memref<128xf32, #tpu.memory_space<vmem>>) dst(%dma_wait3A_383 : memref<128xf32, #tpu.memory_space<hbm>>)
        tpu.yield
      }) : () -> ()
      %mul3A_204 = arith.constant 256 : i32
      %mul3A_205 = arith.muli %add3A, %mul3A_204 : i32
      %add3A_206 = arith.constant 128 : i32
      %add3A_207 = arith.addi %mul3A_205, %add3A_206 : i32
      "tpu.region"() ({
        %run_scoped3A = tpu.sem_alloc : memref<!tpu.dma_semaphore, #tpu.memory_space<semaphore_mem>>
        %dma_start3A_380 = tpu.memref_slice %arg4[%add3A_207] : memref<4096xi32, #tpu.memory_space<hbm>> -> memref<128xi32, #tpu.memory_space<hbm>>
        %dma_start3A_381 = tpu.memref_slice %arg4[%add3A_207] : memref<4096xi32, #tpu.memory_space<hbm>> -> memref<128xi32, #tpu.memory_space<hbm>>
        tpu.enqueue_dma source(%dma_start3A_381 : memref<128xi32, #tpu.memory_space<hbm>>) target(%arg10 : memref<128xi32, #tpu.memory_space<vmem>>) target_semaphore(%run_scoped3A : memref<!tpu.dma_semaphore, #tpu.memory_space<semaphore_mem>>)
        %dma_wait3A_382 = tpu.memref_slice %arg4[%add3A_207] : memref<4096xi32, #tpu.memory_space<hbm>> -> memref<128xi32, #tpu.memory_space<hbm>>
        %dma_wait3A_383 = tpu.memref_slice %arg4[%add3A_207] : memref<4096xi32, #tpu.memory_space<hbm>> -> memref<128xi32, #tpu.memory_space<hbm>>
        tpu.wait_dma2 semaphore(%run_scoped3A : memref<!tpu.dma_semaphore, #tpu.memory_space<semaphore_mem>>) src(%dma_wait3A_383 : memref<128xi32, #tpu.memory_space<hbm>>) dst(%arg10 : memref<128xi32, #tpu.memory_space<vmem>>)
        tpu.yield
      }) : () -> ()
      %get3A_208 = arith.constant 0 : index
      %get3A_209 = tpu.vector_load %arg10[%get3A_208] {strides = array<i32>} : memref<128xi32, #tpu.memory_space<vmem>>, vector<16xi32>,
      %add3A_210 = vector.broadcast %mul3A_2 : i32 to vector<16xi32>
      %add3A_211 = arith.addi %get3A_209, %add3A_210 : vector<16xi32>
      %swap3A_212 = arith.constant 0 : index
      %swap3A_213 = tpu.vector_load %arg11[%swap3A_212] {strides = array<i32>} : memref<128xi32, #tpu.memory_space<vmem>>, vector<16xi32>,
      tpu.vector_store %arg11[%swap3A_212], %add3A_211 {strides = array<i32>} : memref<128xi32, #tpu.memory_space<vmem>>, vector<16xi32>,
      %get3A_214 = arith.constant 16 : index
      %get3A_215 = tpu.vector_load %arg10[%get3A_214] {strides = array<i32>} : memref<128xi32, #tpu.memory_space<vmem>>, vector<16xi32>,
      %add3A_216 = vector.broadcast %mul3A_2 : i32 to vector<16xi32>
      %add3A_217 = arith.addi %get3A_215, %add3A_216 : vector<16xi32>
      %swap3A_218 = arith.constant 16 : index
      %swap3A_219 = tpu.vector_load %arg11[%swap3A_218] {strides = array<i32>} : memref<128xi32, #tpu.memory_space<vmem>>, vector<16xi32>,
      tpu.vector_store %arg11[%swap3A_218], %add3A_217 {strides = array<i32>} : memref<128xi32, #tpu.memory_space<vmem>>, vector<16xi32>,
      %get3A_220 = arith.constant 32 : index
      %get3A_221 = tpu.vector_load %arg10[%get3A_220] {strides = array<i32>} : memref<128xi32, #tpu.memory_space<vmem>>, vector<16xi32>,
      %add3A_222 = vector.broadcast %mul3A_2 : i32 to vector<16xi32>
      %add3A_223 = arith.addi %get3A_221, %add3A_222 : vector<16xi32>
      %swap3A_224 = arith.constant 32 : index
      %swap3A_225 = tpu.vector_load %arg11[%swap3A_224] {strides = array<i32>} : memref<128xi32, #tpu.memory_space<vmem>>, vector<16xi32>,
      tpu.vector_store %arg11[%swap3A_224], %add3A_223 {strides = array<i32>} : memref<128xi32, #tpu.memory_space<vmem>>, vector<16xi32>,
      %get3A_226 = arith.constant 48 : index
      %get3A_227 = tpu.vector_load %arg10[%get3A_226] {strides = array<i32>} : memref<128xi32, #tpu.memory_space<vmem>>, vector<16xi32>,
      %add3A_228 = vector.broadcast %mul3A_2 : i32 to vector<16xi32>
      %add3A_229 = arith.addi %get3A_227, %add3A_228 : vector<16xi32>
      %swap3A_230 = arith.constant 48 : index
      %swap3A_231 = tpu.vector_load %arg11[%swap3A_230] {strides = array<i32>} : memref<128xi32, #tpu.memory_space<vmem>>, vector<16xi32>,
      tpu.vector_store %arg11[%swap3A_230], %add3A_229 {strides = array<i32>} : memref<128xi32, #tpu.memory_space<vmem>>, vector<16xi32>,
      %get3A_232 = arith.constant 64 : index
      %get3A_233 = tpu.vector_load %arg10[%get3A_232] {strides = array<i32>} : memref<128xi32, #tpu.memory_space<vmem>>, vector<16xi32>,
      %add3A_234 = vector.broadcast %mul3A_2 : i32 to vector<16xi32>
      %add3A_235 = arith.addi %get3A_233, %add3A_234 : vector<16xi32>
      %swap3A_236 = arith.constant 64 : index
      %swap3A_237 = tpu.vector_load %arg11[%swap3A_236] {strides = array<i32>} : memref<128xi32, #tpu.memory_space<vmem>>, vector<16xi32>,
      tpu.vector_store %arg11[%swap3A_236], %add3A_235 {strides = array<i32>} : memref<128xi32, #tpu.memory_space<vmem>>, vector<16xi32>,
      %get3A_238 = arith.constant 80 : index
      %get3A_239 = tpu.vector_load %arg10[%get3A_238] {strides = array<i32>} : memref<128xi32, #tpu.memory_space<vmem>>, vector<16xi32>,
      %add3A_240 = vector.broadcast %mul3A_2 : i32 to vector<16xi32>
      %add3A_241 = arith.addi %get3A_239, %add3A_240 : vector<16xi32>
      %swap3A_242 = arith.constant 80 : index
      %swap3A_243 = tpu.vector_load %arg11[%swap3A_242] {strides = array<i32>} : memref<128xi32, #tpu.memory_space<vmem>>, vector<16xi32>,
      tpu.vector_store %arg11[%swap3A_242], %add3A_241 {strides = array<i32>} : memref<128xi32, #tpu.memory_space<vmem>>, vector<16xi32>,
      %get3A_244 = arith.constant 96 : index
      %get3A_245 = tpu.vector_load %arg10[%get3A_244] {strides = array<i32>} : memref<128xi32, #tpu.memory_space<vmem>>, vector<16xi32>,
      %add3A_246 = vector.broadcast %mul3A_2 : i32 to vector<16xi32>
      %add3A_247 = arith.addi %get3A_245, %add3A_246 : vector<16xi32>
      %swap3A_248 = arith.constant 96 : index
      %swap3A_249 = tpu.vector_load %arg11[%swap3A_248] {strides = array<i32>} : memref<128xi32, #tpu.memory_space<vmem>>, vector<16xi32>,
      tpu.vector_store %arg11[%swap3A_248], %add3A_247 {strides = array<i32>} : memref<128xi32, #tpu.memory_space<vmem>>, vector<16xi32>,
      %get3A_250 = arith.constant 112 : index
      %get3A_251 = tpu.vector_load %arg10[%get3A_250] {strides = array<i32>} : memref<128xi32, #tpu.memory_space<vmem>>, vector<16xi32>,
      %add3A_252 = vector.broadcast %mul3A_2 : i32 to vector<16xi32>
      %add3A_253 = arith.addi %get3A_251, %add3A_252 : vector<16xi32>
      %swap3A_254 = arith.constant 112 : index
      %swap3A_255 = tpu.vector_load %arg11[%swap3A_254] {strides = array<i32>} : memref<128xi32, #tpu.memory_space<vmem>>, vector<16xi32>,
      tpu.vector_store %arg11[%swap3A_254], %add3A_253 {strides = array<i32>} : memref<128xi32, #tpu.memory_space<vmem>>, vector<16xi32>,
      %dma_start3A_256 = arith.constant 0 : i32
      %dma_start3A_257 = tpu.memref_slice %arg3[%dma_start3A_256] : memref<524288xf32, #tpu.memory_space<hbm>> -> memref<524288xf32, #tpu.memory_space<hbm>>
      tpu.enqueue_indirect_dma source(%dma_start3A_257 : memref<524288xf32, #tpu.memory_space<hbm>>) target(%arg12 : memref<128xf32, #tpu.memory_space<vmem>>) offsets(%arg11 : memref<128xi32, #tpu.memory_space<vmem>>) semaphore(%arg16 : memref<!tpu.dma_semaphore, #tpu.memory_space<semaphore_mem>>)
      %dma_start3A_258 = arith.constant 0 : i32
      %dma_start3A_259 = tpu.memref_slice %arg2[%dma_start3A_258] : memref<524288xi32, #tpu.memory_space<hbm>> -> memref<524288xi32, #tpu.memory_space<hbm>>
      tpu.enqueue_indirect_dma source(%dma_start3A_259 : memref<524288xi32, #tpu.memory_space<hbm>>) target(%arg13 : memref<128xi32, #tpu.memory_space<vmem>>) offsets(%arg11 : memref<128xi32, #tpu.memory_space<vmem>>) semaphore(%arg16 : memref<!tpu.dma_semaphore, #tpu.memory_space<semaphore_mem>>)
      %dma_wait3A_260 = arith.constant 0 : i32
      %dma_wait3A_261 = tpu.memref_slice %arg3[%dma_wait3A_260] : memref<524288xf32, #tpu.memory_space<hbm>> -> memref<524288xf32, #tpu.memory_space<hbm>>
      tpu.wait_indirect_dma semaphore(%arg16 : memref<!tpu.dma_semaphore, #tpu.memory_space<semaphore_mem>>) src(%dma_wait3A_261 : memref<524288xf32, #tpu.memory_space<hbm>>) dst(%arg12 : memref<128xf32, #tpu.memory_space<vmem>>)
      %dma_wait3A_262 = arith.constant 0 : i32
      %dma_wait3A_263 = tpu.memref_slice %arg2[%dma_wait3A_262] : memref<524288xi32, #tpu.memory_space<hbm>> -> memref<524288xi32, #tpu.memory_space<hbm>>
      tpu.wait_indirect_dma semaphore(%arg16 : memref<!tpu.dma_semaphore, #tpu.memory_space<semaphore_mem>>) src(%dma_wait3A_263 : memref<524288xi32, #tpu.memory_space<hbm>>) dst(%arg13 : memref<128xi32, #tpu.memory_space<vmem>>)
      %dma_start3A_264 = arith.constant 0 : i32
      %dma_start3A_265 = tpu.memref_slice %arg5[%dma_start3A_264] : memref<3200000xf32, #tpu.memory_space<hbm>> -> memref<3200000xf32, #tpu.memory_space<hbm>>
      tpu.enqueue_indirect_dma source(%dma_start3A_265 : memref<3200000xf32, #tpu.memory_space<hbm>>) target(%arg14 : memref<128xf32, #tpu.memory_space<vmem>>) offsets(%arg13 : memref<128xi32, #tpu.memory_space<vmem>>) semaphore(%arg16 : memref<!tpu.dma_semaphore, #tpu.memory_space<semaphore_mem>>)
      %dma_wait3A_266 = arith.constant 0 : i32
      %dma_wait3A_267 = tpu.memref_slice %arg5[%dma_wait3A_266] : memref<3200000xf32, #tpu.memory_space<hbm>> -> memref<3200000xf32, #tpu.memory_space<hbm>>
      tpu.wait_indirect_dma semaphore(%arg16 : memref<!tpu.dma_semaphore, #tpu.memory_space<semaphore_mem>>) src(%dma_wait3A_267 : memref<3200000xf32, #tpu.memory_space<hbm>>) dst(%arg14 : memref<128xf32, #tpu.memory_space<vmem>>)
      %get3A_268 = arith.constant 0 : index
      %get3A_269 = tpu.vector_load %arg14[%get3A_268] {strides = array<i32>} : memref<128xf32, #tpu.memory_space<vmem>>, vector<16xf32>,
      %get3A_270 = arith.constant 0 : index
      %get3A_271 = tpu.vector_load %arg12[%get3A_270] {strides = array<i32>} : memref<128xf32, #tpu.memory_space<vmem>>, vector<16xf32>,
      %add3A_272 = arith.addf %get3A_269, %get3A_271 : vector<16xf32>
      %sub3A_273 = arith.subf %add3A_272, %broadcast_in_dim3A_20 : vector<16xf32>
      %exp3A_274 = math.exp %sub3A_273 : vector<16xf32>
      %div3A_275 = arith.divf %exp3A_274, %broadcast_in_dim3A_32 : vector<16xf32>
      %sub3A_276 = arith.constant 1.000000e+00 : f32
      %sub3A_277 = vector.broadcast %sub3A_276 : f32 to vector<16xf32>
      %sub3A_278 = arith.subf %sub3A_277, %div3A_275 : vector<16xf32>
      %add3A_279 = arith.addf %sub3A_278, %div3A_275 : vector<16xf32>
      %swap3A_280 = arith.constant 0 : index
      %swap3A_281 = tpu.vector_load %arg15[%swap3A_280] {strides = array<i32>} : memref<128xf32, #tpu.memory_space<vmem>>, vector<16xf32>,
      tpu.vector_store %arg15[%swap3A_280], %add3A_279 {strides = array<i32>} : memref<128xf32, #tpu.memory_space<vmem>>, vector<16xf32>,
      %get3A_282 = arith.constant 16 : index
      %get3A_283 = tpu.vector_load %arg14[%get3A_282] {strides = array<i32>} : memref<128xf32, #tpu.memory_space<vmem>>, vector<16xf32>,
      %get3A_284 = arith.constant 16 : index
      %get3A_285 = tpu.vector_load %arg12[%get3A_284] {strides = array<i32>} : memref<128xf32, #tpu.memory_space<vmem>>, vector<16xf32>,
      %add3A_286 = arith.addf %get3A_283, %get3A_285 : vector<16xf32>
      %sub3A_287 = arith.subf %add3A_286, %broadcast_in_dim3A_20 : vector<16xf32>
      %exp3A_288 = math.exp %sub3A_287 : vector<16xf32>
      %div3A_289 = arith.divf %exp3A_288, %broadcast_in_dim3A_32 : vector<16xf32>
      %sub3A_290 = arith.constant 1.000000e+00 : f32
      %sub3A_291 = vector.broadcast %sub3A_290 : f32 to vector<16xf32>
      %sub3A_292 = arith.subf %sub3A_291, %div3A_289 : vector<16xf32>
      %add3A_293 = arith.addf %sub3A_292, %div3A_289 : vector<16xf32>
      %swap3A_294 = arith.constant 16 : index
      %swap3A_295 = tpu.vector_load %arg15[%swap3A_294] {strides = array<i32>} : memref<128xf32, #tpu.memory_space<vmem>>, vector<16xf32>,
      tpu.vector_store %arg15[%swap3A_294], %add3A_293 {strides = array<i32>} : memref<128xf32, #tpu.memory_space<vmem>>, vector<16xf32>,
      %get3A_296 = arith.constant 32 : index
      %get3A_297 = tpu.vector_load %arg14[%get3A_296] {strides = array<i32>} : memref<128xf32, #tpu.memory_space<vmem>>, vector<16xf32>,
      %get3A_298 = arith.constant 32 : index
      %get3A_299 = tpu.vector_load %arg12[%get3A_298] {strides = array<i32>} : memref<128xf32, #tpu.memory_space<vmem>>, vector<16xf32>,
      %add3A_300 = arith.addf %get3A_297, %get3A_299 : vector<16xf32>
      %sub3A_301 = arith.subf %add3A_300, %broadcast_in_dim3A_20 : vector<16xf32>
      %exp3A_302 = math.exp %sub3A_301 : vector<16xf32>
      %div3A_303 = arith.divf %exp3A_302, %broadcast_in_dim3A_32 : vector<16xf32>
      %sub3A_304 = arith.constant 1.000000e+00 : f32
      %sub3A_305 = vector.broadcast %sub3A_304 : f32 to vector<16xf32>
      %sub3A_306 = arith.subf %sub3A_305, %div3A_303 : vector<16xf32>
      %add3A_307 = arith.addf %sub3A_306, %div3A_303 : vector<16xf32>
      %swap3A_308 = arith.constant 32 : index
      %swap3A_309 = tpu.vector_load %arg15[%swap3A_308] {strides = array<i32>} : memref<128xf32, #tpu.memory_space<vmem>>, vector<16xf32>,
      tpu.vector_store %arg15[%swap3A_308], %add3A_307 {strides = array<i32>} : memref<128xf32, #tpu.memory_space<vmem>>, vector<16xf32>,
      %get3A_310 = arith.constant 48 : index
      %get3A_311 = tpu.vector_load %arg14[%get3A_310] {strides = array<i32>} : memref<128xf32, #tpu.memory_space<vmem>>, vector<16xf32>,
      %get3A_312 = arith.constant 48 : index
      %get3A_313 = tpu.vector_load %arg12[%get3A_312] {strides = array<i32>} : memref<128xf32, #tpu.memory_space<vmem>>, vector<16xf32>,
      %add3A_314 = arith.addf %get3A_311, %get3A_313 : vector<16xf32>
      %sub3A_315 = arith.subf %add3A_314, %broadcast_in_dim3A_20 : vector<16xf32>
      %exp3A_316 = math.exp %sub3A_315 : vector<16xf32>
      %div3A_317 = arith.divf %exp3A_316, %broadcast_in_dim3A_32 : vector<16xf32>
      %sub3A_318 = arith.constant 1.000000e+00 : f32
      %sub3A_319 = vector.broadcast %sub3A_318 : f32 to vector<16xf32>
      %sub3A_320 = arith.subf %sub3A_319, %div3A_317 : vector<16xf32>
      %add3A_321 = arith.addf %sub3A_320, %div3A_317 : vector<16xf32>
      %swap3A_322 = arith.constant 48 : index
      %swap3A_323 = tpu.vector_load %arg15[%swap3A_322] {strides = array<i32>} : memref<128xf32, #tpu.memory_space<vmem>>, vector<16xf32>,
      tpu.vector_store %arg15[%swap3A_322], %add3A_321 {strides = array<i32>} : memref<128xf32, #tpu.memory_space<vmem>>, vector<16xf32>,
      %get3A_324 = arith.constant 64 : index
      %get3A_325 = tpu.vector_load %arg14[%get3A_324] {strides = array<i32>} : memref<128xf32, #tpu.memory_space<vmem>>, vector<16xf32>,
      %get3A_326 = arith.constant 64 : index
      %get3A_327 = tpu.vector_load %arg12[%get3A_326] {strides = array<i32>} : memref<128xf32, #tpu.memory_space<vmem>>, vector<16xf32>,
      %add3A_328 = arith.addf %get3A_325, %get3A_327 : vector<16xf32>
      %sub3A_329 = arith.subf %add3A_328, %broadcast_in_dim3A_20 : vector<16xf32>
      %exp3A_330 = math.exp %sub3A_329 : vector<16xf32>
      %div3A_331 = arith.divf %exp3A_330, %broadcast_in_dim3A_32 : vector<16xf32>
      %sub3A_332 = arith.constant 1.000000e+00 : f32
      %sub3A_333 = vector.broadcast %sub3A_332 : f32 to vector<16xf32>
      %sub3A_334 = arith.subf %sub3A_333, %div3A_331 : vector<16xf32>
      %add3A_335 = arith.addf %sub3A_334, %div3A_331 : vector<16xf32>
      %swap3A_336 = arith.constant 64 : index
      %swap3A_337 = tpu.vector_load %arg15[%swap3A_336] {strides = array<i32>} : memref<128xf32, #tpu.memory_space<vmem>>, vector<16xf32>,
      tpu.vector_store %arg15[%swap3A_336], %add3A_335 {strides = array<i32>} : memref<128xf32, #tpu.memory_space<vmem>>, vector<16xf32>,
      %get3A_338 = arith.constant 80 : index
      %get3A_339 = tpu.vector_load %arg14[%get3A_338] {strides = array<i32>} : memref<128xf32, #tpu.memory_space<vmem>>, vector<16xf32>,
      %get3A_340 = arith.constant 80 : index
      %get3A_341 = tpu.vector_load %arg12[%get3A_340] {strides = array<i32>} : memref<128xf32, #tpu.memory_space<vmem>>, vector<16xf32>,
      %add3A_342 = arith.addf %get3A_339, %get3A_341 : vector<16xf32>
      %sub3A_343 = arith.subf %add3A_342, %broadcast_in_dim3A_20 : vector<16xf32>
      %exp3A_344 = math.exp %sub3A_343 : vector<16xf32>
      %div3A_345 = arith.divf %exp3A_344, %broadcast_in_dim3A_32 : vector<16xf32>
      %sub3A_346 = arith.constant 1.000000e+00 : f32
      %sub3A_347 = vector.broadcast %sub3A_346 : f32 to vector<16xf32>
      %sub3A_348 = arith.subf %sub3A_347, %div3A_345 : vector<16xf32>
      %add3A_349 = arith.addf %sub3A_348, %div3A_345 : vector<16xf32>
      %swap3A_350 = arith.constant 80 : index
      %swap3A_351 = tpu.vector_load %arg15[%swap3A_350] {strides = array<i32>} : memref<128xf32, #tpu.memory_space<vmem>>, vector<16xf32>,
      tpu.vector_store %arg15[%swap3A_350], %add3A_349 {strides = array<i32>} : memref<128xf32, #tpu.memory_space<vmem>>, vector<16xf32>,
      %get3A_352 = arith.constant 96 : index
      %get3A_353 = tpu.vector_load %arg14[%get3A_352] {strides = array<i32>} : memref<128xf32, #tpu.memory_space<vmem>>, vector<16xf32>,
      %get3A_354 = arith.constant 96 : index
      %get3A_355 = tpu.vector_load %arg12[%get3A_354] {strides = array<i32>} : memref<128xf32, #tpu.memory_space<vmem>>, vector<16xf32>,
      %add3A_356 = arith.addf %get3A_353, %get3A_355 : vector<16xf32>
      %sub3A_357 = arith.subf %add3A_356, %broadcast_in_dim3A_20 : vector<16xf32>
      %exp3A_358 = math.exp %sub3A_357 : vector<16xf32>
      %div3A_359 = arith.divf %exp3A_358, %broadcast_in_dim3A_32 : vector<16xf32>
      %sub3A_360 = arith.constant 1.000000e+00 : f32
      %sub3A_361 = vector.broadcast %sub3A_360 : f32 to vector<16xf32>
      %sub3A_362 = arith.subf %sub3A_361, %div3A_359 : vector<16xf32>
      %add3A_363 = arith.addf %sub3A_362, %div3A_359 : vector<16xf32>
      %swap3A_364 = arith.constant 96 : index
      %swap3A_365 = tpu.vector_load %arg15[%swap3A_364] {strides = array<i32>} : memref<128xf32, #tpu.memory_space<vmem>>, vector<16xf32>,
      tpu.vector_store %arg15[%swap3A_364], %add3A_363 {strides = array<i32>} : memref<128xf32, #tpu.memory_space<vmem>>, vector<16xf32>,
      %get3A_366 = arith.constant 112 : index
      %get3A_367 = tpu.vector_load %arg14[%get3A_366] {strides = array<i32>} : memref<128xf32, #tpu.memory_space<vmem>>, vector<16xf32>,
      %get3A_368 = arith.constant 112 : index
      %get3A_369 = tpu.vector_load %arg12[%get3A_368] {strides = array<i32>} : memref<128xf32, #tpu.memory_space<vmem>>, vector<16xf32>,
      %add3A_370 = arith.addf %get3A_367, %get3A_369 : vector<16xf32>
      %sub3A_371 = arith.subf %add3A_370, %broadcast_in_dim3A_20 : vector<16xf32>
      %exp3A_372 = math.exp %sub3A_371 : vector<16xf32>
      %div3A_373 = arith.divf %exp3A_372, %broadcast_in_dim3A_32 : vector<16xf32>
      %sub3A_374 = arith.constant 1.000000e+00 : f32
      %sub3A_375 = vector.broadcast %sub3A_374 : f32 to vector<16xf32>
      %sub3A_376 = arith.subf %sub3A_375, %div3A_373 : vector<16xf32>
      %add3A_377 = arith.addf %sub3A_376, %div3A_373 : vector<16xf32>
      %swap3A_378 = arith.constant 112 : index
      %swap3A_379 = tpu.vector_load %arg15[%swap3A_378] {strides = array<i32>} : memref<128xf32, #tpu.memory_space<vmem>>, vector<16xf32>,
      tpu.vector_store %arg15[%swap3A_378], %add3A_377 {strides = array<i32>} : memref<128xf32, #tpu.memory_space<vmem>>, vector<16xf32>,
      "tpu.region"() ({
        %run_scoped3A = tpu.sem_alloc : memref<!tpu.dma_semaphore, #tpu.memory_space<semaphore_mem>>
        %dma_start3A_380 = tpu.memref_slice %arg6[%add3A_207] : memref<4096xf32, #tpu.memory_space<hbm>> -> memref<128xf32, #tpu.memory_space<hbm>>
        %dma_start3A_381 = tpu.memref_slice %arg6[%add3A_207] : memref<4096xf32, #tpu.memory_space<hbm>> -> memref<128xf32, #tpu.memory_space<hbm>>
        tpu.enqueue_dma source(%arg15 : memref<128xf32, #tpu.memory_space<vmem>>) target(%dma_start3A_381 : memref<128xf32, #tpu.memory_space<hbm>>) target_semaphore(%run_scoped3A : memref<!tpu.dma_semaphore, #tpu.memory_space<semaphore_mem>>)
        %dma_wait3A_382 = tpu.memref_slice %arg6[%add3A_207] : memref<4096xf32, #tpu.memory_space<hbm>> -> memref<128xf32, #tpu.memory_space<hbm>>
        %dma_wait3A_383 = tpu.memref_slice %arg6[%add3A_207] : memref<4096xf32, #tpu.memory_space<hbm>> -> memref<128xf32, #tpu.memory_space<hbm>>
        tpu.wait_dma2 semaphore(%run_scoped3A : memref<!tpu.dma_semaphore, #tpu.memory_space<semaphore_mem>>) src(%arg15 : memref<128xf32, #tpu.memory_space<vmem>>) dst(%dma_wait3A_383 : memref<128xf32, #tpu.memory_space<hbm>>)
        tpu.yield
      }) : () -> ()
    } else {
    }
    return
  }
}

</mosaic_0001>

<sc_bundles>
// kernel: kernel.3.cloned.1.call-start
scs
__scs_entry_jumppad:
0x0: {  	(pc) =	sbr.rel $0x88, $3  }
0x1: {  	(tag) =	ssettag $0x0;
	lr =	simm.s32 $0x1  }
0x2: {  	[smem:$0x3F9D] =	sst lr;
	_ =	strace $0xD0000000  }
0x3: {  	_ = 	snop  }
0x4: {  	_ = 	snop  }
0x5: {  	_ = 	snop  }
0x6: {  	_ = 	snop  }
0x7: {  	_ = 	snop  }
__scs_overlays_trampoline_lowered:
0x8: {  	[smem:$0x3FAC] =	sst s0  }
0x9: {  	[smem:$0x3FAD] =	sst s1  }
0xa: {  	[smem:$0x3FAE] =	sst s2  }
0xb: {  	[smem:$0x3FAF] =	sst s3  }
0xc: {  	[smem:$0x3FB0] =	sst s4  }
0xd: {  	[smem:$0x3FB1] =	sst s5  }
0xe: {  	[smem:$0x3FB2] =	sst s6  }
0xf: {  	[smem:$0x3FB3] =	sst s7  }
0x10: {  	[smem:$0x3FB4] =	sst s8  }
0x11: {  	[smem:$0x3FB5] =	sst s9;
	s0 =	simm.s32 @!p0 $0x0  }
0x12: {  	s1 =	sld [smem:$0x3F9B];
	s0 =	simm.s32 @p0 $0x1  }
0x13: {  	[smem:$0x3FB6] =	sst s0;
	s0 =	simm.s32 @!p1 $0x0  }
0x14: {  	s2 =	sld [smem:$0x3F9A];
	s0 =	simm.s32 @p1 $0x1  }
0x15: {  	[smem:$0x3FB7] =	sst s0;
	s0 =	simm.s32 @!p2 $0x0  }
0x16: {  	s3 =	sld [smem:$0x3FDB];
	s0 =	simm.s32 @p2 $0x1  }
0x17: {  	s4 =	simm.s32 $0x1BF5;
	[smem:$0x3FB9] =	sst s0  }
0x18: {  	s0 =	sld [smem:$0x3F9C];
	_ =	swait.ge [sflag:s4], $0x0  }
0x19: {  	s7 =	sld [smem:$0x3F9D]  }
0x1a: {  	s8 =	sadd.s32 $0xFFFFE003, lr  }
0x1b: {  	s9 =	sadd.s32 $0xFFFFFEF7, lr;
	s5 =	simm.s32 $0xFFFFFFFF;
	p2 =	slt.u32 s8, $0xFFFFF086  }
0x1c: {  	p1 =	slt.u32 s9, $0xF7A;
	s5 =	simm.s32 @!p2 $0x0  }
0x1d: {  	s5 =	simm.s32 @p1 $0x1;
	p0 =	seq.s32 s7, s2  }
0x1e: {  	s7 =	smul.u32 @!p0 $0xF7A, s2;
	p2 =	seq.s32 @!p0 s5, $0x0  }
0x1f: {  	s9 =	smul.u32 $0xF7A, s1;
	s8 =	simm.s32 @!p0 $0x1BF5;
	p2 =	por !p2, p0  }
0x20: {  	[sflag:s8] =	ssyncset.s32 @!p0 $0xFFFFF086;
	s6 =	sadd.s32 @!p0 s3, s7;
	s7 =	simm.s32 @!p0 $0x108  }
0x21: {  	s3 =	sadd.s32 s3, s9;
	s6 =	sadd.s32 @!p0 $0x88, s6;
	s7 =	simm.s32 @p2 $0x1082  }
0x22: {  	[simem:s7], [sflag:s8] =	dma.local @!p0 [hbm:s6], $0xF7A  }
0x23: {  	s9 =	sor.u32 $0xD0000000, s2;
	s6 =	simm.s32 $0x108;
	_ =	swait.ge @!p0 [sflag:s8], $0x0  }
0x24: {  	s3 =	sadd.s32 $0x88, s3;
	s6 =	simm.s32 @!p1 $0x1082;
	[sflag:s4] =	ssyncset.s32 $0xFFFFF086  }
0x25: {  	[simem:s6], [sflag:s4] =	dma.local [hbm:s3], $0xF7A  }
0x26: {  	[smem:$0x3F9D] =	sst s1;
	(tag) =	ssettag s2;
	_ =	strace s9  }
0x27: {  	s1 =	sld [smem:$0x3FAD]  }
0x28: {  	s2 =	sld [smem:$0x3FAE]  }
0x29: {  	s4 =	sld [smem:$0x3FB0]  }
0x2a: {  	p0 =	seq.s32 s5, $0x0;
	s5 =	sld [smem:$0x3FB1]  }
0x2b: {  	s6 =	sld [smem:$0x3FB2]  }
0x2c: {  	s7 =	sld [smem:$0x3FB3]  }
0x2d: {  	s3 =	simm.s32 $0x108;
	s8 =	sld [smem:$0x3FB4]  }
0x2e: {  	s3 =	simm.s32 @!p0 $0x1082;
	s9 =	sld [smem:$0x3FB5]  }
0x2f: {  	lr =	sadd.s32 s0, s3;
	s0 =	sld [smem:$0x3FAC]  }
0x30: {  	s3 =	sld [smem:$0x3FAF]  }
0x31: {  	[smem:$0x3FB8] =	sst s10  }
0x32: {  	s10 =	sld [smem:$0x3FB6];
	_ =	sdelay $0x3  }
0x33: {  	p0 =	seq.s32 s10, $0x1;
	s10 =	sld [smem:$0x3FB8];
	_ =	sdelay $0x3  }
0x34: {  	[smem:$0x3FB8] =	sst s10  }
0x35: {  	s10 =	sld [smem:$0x3FB7];
	_ =	sdelay $0x3  }
0x36: {  	p1 =	seq.s32 s10, $0x1;
	s10 =	sld [smem:$0x3FB8];
	_ =	sdelay $0x3  }
0x37: {  	[smem:$0x3FB8] =	sst s10  }
0x38: {  	s10 =	sld [smem:$0x3FB9]  }
0x39: {  	_ = 	snop;
	(pc) =	sbr.ind lr, $3  }
0x3a: {  	_ = 	snop  }
0x3b: {  	_ = 	snop  }
0x3c: {  	p2 =	seq.s32 s10, $0x1;
	s10 =	sld [smem:$0x3FB8]  }
0x3d: {  	_ =	shalt  }
0x3e: {  	_ =	shalt  }
0x3f: {  	_ =	shalt  }
0x40: {  	_ =	shalt  }
0x41: {  	_ =	shalt  }
0x42: {  	_ =	shalt  }
0x43: {  	_ =	shalt  }
0x44: {  	_ =	shalt  }
0x45: {  	_ =	shalt  }
0x46: {  	_ =	shalt  }
0x47: {  	_ =	shalt  }
0x48: {  	_ =	shalt  }
0x49: {  	_ =	shalt  }
0x4a: {  	_ =	shalt  }
0x4b: {  	_ =	shalt  }
0x4c: {  	_ =	shalt  }
0x4d: {  	_ =	shalt  }
0x4e: {  	_ =	shalt  }
0x4f: {  	_ =	shalt  }
0x50: {  	_ =	shalt  }
0x51: {  	_ =	shalt  }
0x52: {  	_ =	shalt  }
0x53: {  	_ =	shalt  }
0x54: {  	_ =	shalt  }
0x55: {  	_ =	shalt  }
0x56: {  	_ =	shalt  }
0x57: {  	_ =	shalt  }
0x58: {  	_ =	shalt  }
0x59: {  	_ =	shalt  }
0x5a: {  	_ =	shalt  }
0x5b: {  	_ =	shalt  }
0x5c: {  	_ =	shalt  }
0x5d: {  	_ =	shalt  }
0x5e: {  	_ =	shalt  }
0x5f: {  	_ =	shalt  }
0x60: {  	_ =	shalt  }
0x61: {  	_ =	shalt  }
0x62: {  	_ =	shalt  }
0x63: {  	_ =	shalt  }
0x64: {  	_ =	shalt  }
0x65: {  	_ =	shalt  }
0x66: {  	_ =	shalt  }
0x67: {  	_ =	shalt  }
0x68: {  	_ =	shalt  }
0x69: {  	_ =	shalt  }
0x6a: {  	_ =	shalt  }
0x6b: {  	_ =	shalt  }
0x6c: {  	_ =	shalt  }
0x6d: {  	_ =	shalt  }
0x6e: {  	_ =	shalt  }
0x6f: {  	_ =	shalt  }
0x70: {  	_ =	shalt  }
0x71: {  	_ =	shalt  }
0x72: {  	_ =	shalt  }
0x73: {  	_ =	shalt  }
0x74: {  	_ =	shalt  }
0x75: {  	_ =	shalt  }
0x76: {  	_ =	shalt  }
0x77: {  	_ =	shalt  }
0x78: {  	_ =	shalt  }
0x79: {  	_ =	shalt  }
0x7a: {  	_ =	shalt  }
0x7b: {  	_ =	shalt  }
0x7c: {  	_ =	shalt  }
0x7d: {  	_ =	shalt  }
0x7e: {  	_ =	shalt  }
0x7f: {  	_ =	shalt  }
0x80: {  	_ =	shalt  }
0x81: {  	_ =	shalt  }
0x82: {  	_ =	shalt  }
0x83: {  	_ =	shalt  }
0x84: {  	_ =	shalt  }
0x85: {  	_ =	shalt  }
0x86: {  	_ =	shalt  }
0x87: {  	_ =	shalt  }
.Lfunc_end0:
.L_simem_size_0:
called_computation_lowered:
.L_overlay_start_0:
0x88: {  	s2 =	sld [smem:$0x3FD9]  }
0x89: {  	s3 =	sld [smem:$0x3FFE];
	_ =	sdelay $0x1  }
0x8a: {  	s1 =	srdreg.scid  }
0x8b: {  	s0 =	sand.u32 $0x1, s1  }
0x8c: {  	s17 =	sshll.u32 s0, $0xA;
	s2 =	sadd.s32 s3, s2  }
0x8d: {  	s2 =	sadd.s32 s2, s17  }
0x8e: {  	[smem:$0x3FC4] =	sst s2  }
0x8f: {  	_ = 	snop  }
0x90: {  	s2 =	sld [smem:$0x3FC8]  }
0x91: {  	s18 =	sld [smem:$0x3FC6]  }
0x92: {  	s4 =	sld [smem:$0x3FD0];
	(tm) =	ssettm $0x1  }
0x93: {  	s5 =	sld [smem:$0x3FFB];
	_ =	sdelay $0x3  }
0x94: {  	_ =	strace s5  }
0x95: {  	s5 =	sld [smem:$0x3FFC];
	_ =	sdelay $0x3  }
0x96: {  	_ =	strace s5  }
0x97: {  	s5 =	sld [smem:$0x3FFD];
	_ =	sdelay $0x3  }
0x98: {  	_ =	strace s5  }
0x99: {  	_ =	strace $0x8FFFFFFF  }
0x9a: {  	s19 =	sld [smem:$0x3FDB];
	_ =	sdelay $0x1  }
0x9b: {  	s6 =	simm.s32 $_scs_section_size  }
0x9c: {  	s7 =	simm.s32 $_size__tile_overlayer_lowered;
	s8 =	simm.s32 $_tile_overlayer_lowered  }
0x9d: {  	s22 =	simm.s32 $0x1BFF;
	s21 =	sshll.u32 s8, $0x1;
	s5 =	sadd.s32 s6, s19  }
0x9e: {  	s9 =	simm.s32 $0x0;
	s20 =	sshll.u32 s7, $0x1;
	s7 =	sadd.s32 s21, s5  }
0x9f: {  	[timem:s9], [sflag:s22] =	dma.local [hbm:s7], s20  }
0xa0: {  	_ =	swait.ge [sflag:s22], s20  }
0xa1: {  	s6 =	ssub.s32 $0x0, s20;
	[sflag:s22] =	ssyncset.done $0x0  }
0xa2: {  	[sflag:s22] =	ssyncadd.s32 s6;
	_ =	sdelay $0x1  }
0xa3: {  	s23 =	simm.s32 $0x1B8B  }
0xa4: {  	_ =	swait.ge [sflag:s23], $0x1  }
0xa5: {  	[sflag:s23] =	ssyncset.done $0x0  }
0xa6: {  	s25 =	simm.s32 $0x1B8E;
	s24 =	sld [smem:$0x3FFE];
	[sflag:s23] =	ssyncadd.s32 $0xFFFFFFFF  }
0xa7: {  	s26 =	simm.s32 $execute0_lowered;
	[smem:$0x3FD2] =	sst s25  }
0xa8: {  	s7 =	sshll.u32 s26, $0x1;
	_ =	strace $0x80000046;
	[dreg:$0x1] =	wrdreg $0xFFFFFFFF  }
0xa9: {  	s28 =	simm.s32 $_size_execute0_lowered;
	s5 =	sadd.s32 s5, s7;
	[dreg:$0x0] =	wrdreg $0x0  }
0xaa: {  	s7 =	sshll.u32 s28, $0x1;
	[dreg:$0x2] =	wrdreg s5  }
0xab: {  	[dreg:$0x3] =	wrdreg s7  }
0xac: {  	[dreg:$0x4] =	wrdreg $0xC0  }
0xad: {  	_ =	task [dreg:s9], $0x5FFFF  }
0xae: {  	[dreg:$0x1] =	wrdreg $0xFFFFFFFF  }
0xaf: {  	[dreg:$0x0] =	wrdreg $0x60  }
0xb0: {  	[dreg:$0x2] =	wrdreg s24  }
0xb1: {  	[dreg:$0x3] =	wrdreg s2  }
0xb2: {  	[dreg:$0x4] =	wrdreg s18  }
0xb3: {  	[dreg:$0x5] =	wrdreg s4  }
0xb4: {  	[dreg:$0x6] =	wrdreg $0x9  }
0xb5: {  	_ =	task.clear_ibuf [dreg:s9], $0x7FFFF;
	_ =	strace $0x90000046  }
0xb6: {  	s29 =	simm.s32 $0x9;
	_ =	strace $0x80000048  }
0xb7: {  	_ =	swait.ge [sflag:s29], $0x1  }
0xb8: {  	[sflag:s29] =	ssyncadd.s32 $0xFFFFFFFF  }
0xb9: {  	_ =	strace $0x90000048  }
0xba: {  	_ =	sfence  }
0xbb: {  	s30 =	sld [smem:$0x0];
	_ =	sdelay $0x2  }
0xbc: {  	s31 =	sshll.u32 s1, $0xD;
	s1 =	sshrl.u32 s1, $0x2  }
0xbd: {  	s3 =	sand.u32 $0x4000, s31;
	s1 =	sadd.s32 s1, s30  }
0xbe: {  	s0 =	sor.u32 s3, s0;
	s1 =	sshll.u32 s1, $0x11  }
0xbf: {  	s0 =	sor.u32 s1, s0  }
0xc0: {  	s0 =	sadd.s32 $0x8F2B, s0  }
0xc1: {  	[sflag:s0] =	ssyncadd.remote.s32 $0x1  }
0xc2: {  	_ =	sfence.sel $0xFFFF  }
0xc3: {  	[dreg:$0x0] =	wrdreg $0xFFFFFFFF;
	(pc) =	sbr.abs _section_cstart, $3  }
0xc4: {  	[dreg:$0x1] =	wrdreg $0xFFFFFFFF  }
0xc5: {  	_ =	task.clear_ibuf [dreg:s9], $0x2FFFF;
	_ =	strace $0x9FFFFFFF  }
0xc6: {  	(tm) =	ssettm $0x7FFFFFFF  }
0xc7: {  	_ =	shalt  }
tec
execute0_lowered:
.L_overlay_start_1:
0x0: {  	(tag) =	ssettag $0x1  }
0x1: {  	s2 =	stileid.u32  }
0x2: {  	s5 =	rddreg [dreg:$0x0];
	p0 =	sgt.u32 s2, $0x7  }
.Ltmp0:
0x3: {  	s1 =	rddreg [dreg:$0x1];
	(pc) =	sbr.rel @p0 .LBB2_7-.Ltmp0, $4  }
0x4: {  	s3 =	rddreg [dreg:$0x2]  }
0x5: {  	s9 =	rddreg [dreg:$0x3];
	s4 =	simm.s32 $0x0  }
0x6: {  	[smem:$0x7FF] =	sst s4  }
0x7: {  	s0 =	rddreg [dreg:$0x4];
	_ =	strace $0x80000047  }
0x8: {  	s6 =	srdreg.scid;
	s29 =	sshll.u32 s2, $0x1;
	s11 =	sadd.s32 $0x400, s5  }
0x9: {  	s5 =	sadd.s32 $0x600, s5;
	s15 =	simm.s32 $0x8000;
	s16 =	simm.s32 $0x1  }
0xa: {  	s17 =	simm.s32 $0x2;
	s18 =	simm.s32 $0x18000;
	s19 =	simm.s32 $0x80  }
0xb: {  	s20 =	simm.s32 $0x18080;
	s21 =	simm.s32 $0x18100;
	s8 =	sand.u32 $0x1, s6  }
0xc: {  	s22 =	simm.s32 $0x18180;
	s24 =	simm.s32 $0x18280;
	s10 =	sor.u32 s8, s29  }
0xd: {  	s25 =	simm.s32 $0x0;
	s13 =	ssub.s32 $0x2, s8;
	s12 =	sshll.u32 s10, $0x5  }
0xe: {  	s23 =	sshll.u32 s10, $0xF;
	s30 =	sshrl.u32 s13, $0x1;
	s14 =	sshll.u32 s10, $0xC  }
0xf: {  	s6 =	sadd.s32 s11, s12;
	s7 =	sadd.s32 s9, s12;
	s12 =	sor.u32 $0x10, s12  }
0x10: {  	s31 =	ssub.s32 s13, s30;
	s10 =	sadd.s32 s5, s14;
	s13 =	simm.s32 $0x10000  }
0x11: {  	v0 =	vmov s23;
	s23 =	simm.s32 $0x18200;
	s8 =	sadd.s32 s11, s12;
	s9 =	sadd.s32 s9, s12  }
0x12: {  	s11 =	sadd.s32 s1, s14;
	s12 =	smax.u32 s31, $0x1;
	s14 =	simm.s32 $0x3  }
.LBB2_2:
0x13: {  	s26 =	simm.s32 $0x0  }
0x14: {  	[tilespmem:s13], [sflag:$0x2] =	stream.linear.gather [hbm4b:s11+s26], $0x8000, $0x38;
	[tilespmem:$0x18300] =	vst v63  }
0x15: {  	_ = 	snop  }
0x16: {  	[tilespmem:s26], [sflag:$0x3] =	stream.linear.gather [hbm4b:s10+s26], $0x8000, $0x38;
	[tilespmem:$0x18300] =	vst v63  }
0x17: {  	_ =	swait.ge [sflag:s14], $0x8000  }
0x18: {  	[sflag:s14] =	ssyncset.done $0x0  }
0x19: {  	[sflag:s14] =	ssyncadd.s32 $0xFFFF8000  }
0x1a: {  	[tilespmem:s15], [sflag:$0x1] =	stream.indirect.gather [hbm4b:s3+s15], $0x1, s26, s15, $0xb8;
	[tilespmem:$0x18300] =	vst v63  }
0x1b: {  	_ =	swait.ge [sflag:s16], $0x8000  }
0x1c: {  	[sflag:s16] =	ssyncset.done $0x0  }
0x1d: {  	[sflag:s16] =	ssyncadd.s32 $0xFFFF8000  }
0x1e: {  	_ =	swait.ge [sflag:s17], $0x8000  }
0x1f: {  	[sflag:s17] =	ssyncset.done $0x0  }
0x20: {  	s26 =	simm.s32 $0x0;
	[sflag:s17] =	ssyncadd.s32 $0xFFFF8000  }
0x21: {  	v1 =	vimm.f32 $-Inf;
	s28 =	simm.s32 $0x40;
	v2 =	vld [tilespmem:s26+$0x10000]  }
.LBB2_3:
0x22: {  	p0 =	sne.s32 s28, $0x1FFC0;
	v3 =	vld [tilespmem:s26+$0x8000];
	_ =	sdelay $0x2  }
.Ltmp1:
0x23: {  	(pc) =	sbr.rel @p0 .LBB2_3-.Ltmp1, $4  }
0x24: {  	_ = 	snop  }
0x25: {  	v3 =	vadd.f32 v2, v3  }
0x26: {  	s29 =	sshra.s32 s28, $0x2  }
0x27: {  	s28 =	sadd.s32 $0x40, s28;
	v2 =	vld [tilespmem:s29+$0x10000];
	[tilespmem:s26+$0x8000] =	vst v3;
	v1 =	vmax.f32 v1, v3;
	s26 =	smov.u32 s29  }
0x28: {  	v3 =	vld [tilespmem:s26+$0x8000];
	_ =	sdelay $0x4  }
0x29: {  	v2 =	vadd.f32 v2, v3;
	_ =	sdelay $0x1  }
0x2a: {  	v1 =	vmax.f32 v1, v2  }
0x2b: {  	(xrf0) =	vmax.scan.msk.f32 $0xffff, v1;
	_ =	sdelay $0x2  }
0x2c: {  	s30 =	simm.s32 $0x0;
	[tilespmem:s26+$0x8000] =	vst v2  }
0x2d: {  	v2 =	vld [tilespmem:s30+$0x8000];
	_ =	sdelay $0x1  }
0x2e: {  	s31 =	simm.s32 $0x10;
	v1, _, _ =	vpop (xrf0)  }
0x2f: {  	v3 =	vld [tilespmem:s31+$0x8000];
	v1 =	vbroadcast v1, $0xF;
	_ =	sdelay $0x1  }
0x30: {  	v2 =	vsub.f32 v2, v1;
	_ =	sdelay $0x1  }
0x31: {  	v2 =	vmul.f32 $1.442695020e+00, v2  }
0x32: {  	v3 =	vsub.f32 v3, v1  }
0x33: {  	(erf) = vpow2.f32 v2  }
0x34: {  	v4 =	vmul.f32 $1.442695020e+00, v3  }
0x35: {  	s28 =	simm.s32 $0x20  }
0x36: {  	v3 =	vld [tilespmem:s28+$0x8000];
	(erf) = vpow2.f32 v4;
	_ =	sdelay $0x2  }
0x37: {  	s26 =	simm.s32 $0xC0;
	v2 =	vimm.f32 $0.0e+00  }
.LBB2_5:
0x38: {  	p0 =	sne.s32 s26, $0x1FFC0  }
.Ltmp2:
0x39: {  	s28 =	sshra.s32 s26, $0x2;
	s26 =	sadd.s32 $0x40, s26;
	v4 =	vsub.f32 v3, v1;
	(pc) =	sbr.rel @p0 .LBB2_5-.Ltmp2, $3  }
0x3a: {  	v3 =	vld [tilespmem:s28+$0x8000];
	v5 =	vpop (erf)  }
0x3b: {  	v4 =	vmul.f32 $1.442695020e+00, v4;
	v2 =	vadd.f32 v5, v2;
	_ =	sdelay $0x1  }
0x3c: {  	(erf) = vpow2.f32 v4  }
0x3d: {  	_ = 	snop  }
0x3e: {  	v3 =	vsub.f32 v3, v1;
	_ =	sdelay $0x1  }
0x3f: {  	v3 =	vmul.f32 $1.442695020e+00, v3;
	_ =	sdelay $0x1  }
0x40: {  	(erf) = vpow2.f32 v3;
	_ =	sdelay $0x4  }
0x41: {  	v3 =	vpop (erf)  }
0x42: {  	v2 =	vadd.f32 v3, v2  }
0x43: {  	v3 =	vpop (erf)  }
0x44: {  	v2 =	vadd.f32 v3, v2  }
0x45: {  	v3 =	vpop (erf)  }
0x46: {  	v2 =	vadd.f32 v3, v2;
	_ =	sdelay $0x1  }
0x47: {  	(xrf2) =	vadd.scan.msk.f32 $0xffff, v2;
	_ =	sdelay $0x9  }
0x48: {  	[tilespmem:s18], [sflag:$0x3] =	stream.linear.gather [hbm4b:s6+s4], $0x80, $0x38;
	v2, _, _ =	vpop (xrf2);
	[tilespmem:$0x18300] =	vst v63  }
0x49: {  	_ =	swait.ge [sflag:s14], $0x80  }
0x4a: {  	[sflag:s14] =	ssyncset.done $0x0  }
0x4b: {  	[sflag:s14] =	ssyncadd.s32 $0xFFFFFF80  }
0x4c: {  	v3 =	vld [tilespmem:$0x18000]  }
0x4d: {  	v4 =	vld [tilespmem:$0x18010]  }
0x4e: {  	v5 =	vld [tilespmem:$0x18020]  }
0x4f: {  	v6 =	vld [tilespmem:$0x18030]  }
0x50: {  	v7 =	vld [tilespmem:$0x18040]  }
0x51: {  	v8 =	vld [tilespmem:$0x18050];
	v3 =	vadd.s32 v0, v3  }
0x52: {  	v43 =	vld [tilespmem:$0x18060];
	[tilespmem:$0x18080] =	vst v3;
	v3 =	vadd.s32 v0, v4  }
0x53: {  	v44 =	vld [tilespmem:$0x18070];
	[tilespmem:$0x18090] =	vst v3;
	v3 =	vadd.s32 v0, v5  }
0x54: {  	[tilespmem:$0x180A0] =	vst v3;
	v3 =	vadd.s32 v0, v6  }
0x55: {  	[tilespmem:$0x180B0] =	vst v3;
	v3 =	vadd.s32 v0, v7  }
0x56: {  	[tilespmem:$0x180C0] =	vst v3;
	v3 =	vadd.s32 v0, v8  }
0x57: {  	[tilespmem:$0x180D0] =	vst v3;
	v3 =	vadd.s32 v0, v43  }
0x58: {  	[tilespmem:$0x180E0] =	vst v3;
	v3 =	vadd.s32 v0, v44  }
0x59: {  	[tilespmem:$0x180F0] =	vst v3  }
0x5a: {  	[tilespmem:s21], [sflag:$0x1] =	stream.indirect.gather [hbm4b:s1+s19], $0x1, s20, s19, $0xb8;
	[tilespmem:$0x18300] =	vst v63  }
0x5b: {  	_ = 	snop  }
0x5c: {  	[tilespmem:s22], [sflag:$0x1] =	stream.indirect.gather [hbm4b:s5+s19], $0x1, s20, s19, $0xb8;
	[tilespmem:$0x18300] =	vst v63  }
0x5d: {  	_ =	swait.ge [sflag:s16], $0x80  }
0x5e: {  	[sflag:s16] =	ssyncset.done $0x0  }
0x5f: {  	[sflag:s16] =	ssyncadd.s32 $0xFFFFFF80  }
0x60: {  	_ =	swait.ge [sflag:s16], $0x80  }
0x61: {  	[sflag:s16] =	ssyncset.done $0x0  }
0x62: {  	[sflag:s16] =	ssyncadd.s32 $0xFFFFFF80  }
0x63: {  	[tilespmem:s23], [sflag:$0x1] =	stream.indirect.gather [hbm4b:s3+s19], $0x1, s22, s19, $0xb8;
	[tilespmem:$0x18300] =	vst v63  }
0x64: {  	_ =	swait.ge [sflag:s16], $0x80  }
0x65: {  	[sflag:s16] =	ssyncset.done $0x0  }
0x66: {  	[sflag:s16] =	ssyncadd.s32 $0xFFFFFF80  }
0x67: {  	v3 =	vld [tilespmem:$0x18200]  }
0x68: {  	v45 =	vld [tilespmem:$0x18100]  }
0x69: {  	v46 =	vld [tilespmem:$0x18210]  }
0x6a: {  	v47 =	vld [tilespmem:$0x18110]  }
0x6b: {  	v48 =	vld [tilespmem:$0x18220]  }
0x6c: {  	v49 =	vld [tilespmem:$0x18120]  }
0x6d: {  	v9 =	vld [tilespmem:$0x18230]  }
0x6e: {  	v10 =	vld [tilespmem:$0x18130]  }
0x6f: {  	v11 =	vld [tilespmem:$0x18240]  }
0x70: {  	v12 =	vld [tilespmem:$0x18140]  }
0x71: {  	v50 =	vld [tilespmem:$0x18250];
	v3 =	vadd.f32 v45, v3  }
0x72: {  	v13 =	vld [tilespmem:$0x18150]  }
0x73: {  	v51 =	vld [tilespmem:$0x18260];
	v5 =	vadd.f32 v47, v46;
	v3 =	vsub.f32 v3, v1  }
0x74: {  	v14 =	vld [tilespmem:$0x18160]  }
0x75: {  	v15 =	vld [tilespmem:$0x18270];
	v5 =	vsub.f32 v5, v1;
	v3 =	vmul.f32 $1.442695020e+00, v3  }
0x76: {  	v2 =	vbroadcast v2, $0xF;
	v52 =	vld [tilespmem:$0x18170];
	v7 =	vadd.f32 v49, v48  }
0x77: {  	v53 =	vadd.f32 v10, v9;
	(erf) = vpow2.f32 v3;
	v3 =	vmul.f32 $1.442695020e+00, v5  }
0x78: {  	v54 =	vadd.f32 v12, v11;
	(erf) = vrcp.f32 v2;
	v2 =	vsub.f32 v7, v1  }
0x79: {  	v4 =	vadd.f32 v13, v50;
	(erf) = vpow2.f32 v3;
	v3 =	vsub.f32 v53, v1  }
0x7a: {  	v6 =	vadd.f32 v14, v51;
	v55 =	vsub.f32 v54, v1;
	v2 =	vmul.f32 $1.442695020e+00, v2  }
0x7b: {  	v56 =	vadd.f32 v52, v15;
	v4 =	vsub.f32 v4, v1;
	v3 =	vmul.f32 $1.442695020e+00, v3  }
0x7c: {  	v57 =	vsub.f32 v6, v1;
	(erf) = vpow2.f32 v2;
	v2 =	vmul.f32 $1.442695020e+00, v55  }
0x7d: {  	v58 =	vsub.f32 v56, v1;
	(erf) = vpow2.f32 v3;
	v3 =	vmul.f32 $1.442695020e+00, v4  }
0x7e: {  	(erf) = vpow2.f32 v2;
	v2 =	vmul.f32 $1.442695020e+00, v57  }
0x7f: {  	(erf) = vpow2.f32 v3;
	v3 =	vmul.f32 $1.442695020e+00, v58;
	_ =	sdelay $0x1  }
0x80: {  	(erf) = vpow2.f32 v2  }
0x81: {  	(erf) = vpow2.f32 v3  }
0x82: {  	v3 =	vpop (erf)  }
0x83: {  	v2 =	vpop (erf)  }
0x84: {  	v3 =	vmul.f32 v3, v2;
	v59 =	vpop (erf)  }
0x85: {  	v4 =	vmul.f32 v59, v2;
	v60 =	vpop (erf)  }
0x86: {  	v61 =	vsub.f32 $1.000000000e+00, v3;
	v5 =	vmul.f32 v60, v2;
	v62 =	vpop (erf)  }
0x87: {  	v63 =	vsub.f32 $1.000000000e+00, v4;
	v7 =	vmul.f32 v62, v2;
	v12 =	vpop (erf)  }
0x88: {  	v3 =	vadd.f32 v61, v3;
	v13 =	vsub.f32 $1.000000000e+00, v5;
	v9 =	vmul.f32 v12, v2;
	v14 =	vpop (erf)  }
0x89: {  	v4 =	vadd.f32 v63, v4;
	v15 =	vsub.f32 $1.000000000e+00, v7;
	v10 =	vmul.f32 v14, v2;
	v16 =	vpop (erf)  }
0x8a: {  	[tilespmem:$0x18280] =	vst v3;
	v3 =	vadd.f32 v13, v5;
	v17 =	vsub.f32 $1.000000000e+00, v9;
	v18 =	vmul.f32 v16, v2;
	v19 =	vpop (erf)  }
0x8b: {  	[tilespmem:$0x18290] =	vst v4;
	v20 =	vadd.f32 v15, v7;
	v21 =	vsub.f32 $1.000000000e+00, v10;
	v22 =	vmul.f32 v19, v2  }
0x8c: {  	[tilespmem:$0x182A0] =	vst v3;
	v3 =	vadd.f32 v17, v9;
	v23 =	vsub.f32 $1.000000000e+00, v18  }
0x8d: {  	[tilespmem:$0x182B0] =	vst v20;
	v24 =	vadd.f32 v21, v10;
	v25 =	vsub.f32 $1.000000000e+00, v22  }
0x8e: {  	[tilespmem:$0x182C0] =	vst v3;
	v3 =	vadd.f32 v23, v18  }
0x8f: {  	[tilespmem:$0x182D0] =	vst v24;
	v26 =	vadd.f32 v25, v22  }
0x90: {  	[tilespmem:$0x182E0] =	vst v3  }
0x91: {  	[tilespmem:$0x182F0] =	vst v26  }
0x92: {  	[hbm4b:s7+s4] =	stream.linear.scatter [tilespmem:s24], [sflag:$0x3], $0x80, $0x38;
	[tilespmem:$0x18300] =	vst v63  }
0x93: {  	_ =	swait.ge [sflag:s14], $0x80  }
0x94: {  	[sflag:s14] =	ssyncset.done $0x0  }
0x95: {  	[sflag:s14] =	ssyncadd.s32 $0xFFFFFF80  }
0x96: {  	[tilespmem:s18], [sflag:$0x3] =	stream.linear.gather [hbm4b:s8+s4], $0x80, $0x38;
	[tilespmem:$0x18300] =	vst v63  }
0x97: {  	_ =	swait.ge [sflag:s14], $0x80  }
0x98: {  	[sflag:s14] =	ssyncset.done $0x0  }
0x99: {  	[sflag:s14] =	ssyncadd.s32 $0xFFFFFF80  }
0x9a: {  	v3 =	vld [tilespmem:$0x18000]  }
0x9b: {  	v27 =	vld [tilespmem:$0x18010]  }
0x9c: {  	v28 =	vld [tilespmem:$0x18020]  }
0x9d: {  	v29 =	vld [tilespmem:$0x18030]  }
0x9e: {  	v30 =	vld [tilespmem:$0x18040]  }
0x9f: {  	v31 =	vld [tilespmem:$0x18050];
	v3 =	vadd.s32 v0, v3  }
0xa0: {  	v32 =	vld [tilespmem:$0x18060];
	[tilespmem:$0x18080] =	vst v3;
	v3 =	vadd.s32 v0, v27  }
0xa1: {  	v33 =	vld [tilespmem:$0x18070];
	[tilespmem:$0x18090] =	vst v3;
	v3 =	vadd.s32 v0, v28  }
0xa2: {  	[tilespmem:$0x180A0] =	vst v3;
	v3 =	vadd.s32 v0, v29  }
0xa3: {  	[tilespmem:$0x180B0] =	vst v3;
	v3 =	vadd.s32 v0, v30  }
0xa4: {  	[tilespmem:$0x180C0] =	vst v3;
	v3 =	vadd.s32 v0, v31  }
0xa5: {  	[tilespmem:$0x180D0] =	vst v3;
	v3 =	vadd.s32 v0, v32  }
0xa6: {  	[tilespmem:$0x180E0] =	vst v3;
	v3 =	vadd.s32 v0, v33  }
0xa7: {  	[tilespmem:$0x180F0] =	vst v3  }
0xa8: {  	[tilespmem:s21], [sflag:$0x1] =	stream.indirect.gather [hbm4b:s1+s19], $0x1, s20, s19, $0xb8;
	[tilespmem:$0x18300] =	vst v63  }
0xa9: {  	_ = 	snop  }
0xaa: {  	[tilespmem:s22], [sflag:$0x1] =	stream.indirect.gather [hbm4b:s5+s19], $0x1, s20, s19, $0xb8;
	[tilespmem:$0x18300] =	vst v63  }
0xab: {  	_ =	swait.ge [sflag:s16], $0x80  }
0xac: {  	[sflag:s16] =	ssyncset.done $0x0  }
0xad: {  	[sflag:s16] =	ssyncadd.s32 $0xFFFFFF80  }
0xae: {  	_ =	swait.ge [sflag:s16], $0x80  }
0xaf: {  	[sflag:s16] =	ssyncset.done $0x0  }
0xb0: {  	[sflag:s16] =	ssyncadd.s32 $0xFFFFFF80  }
0xb1: {  	[tilespmem:s23], [sflag:$0x1] =	stream.indirect.gather [hbm4b:s3+s19], $0x1, s22, s19, $0xb8;
	[tilespmem:$0x18300] =	vst v63  }
0xb2: {  	_ =	swait.ge [sflag:s16], $0x80  }
0xb3: {  	[sflag:s16] =	ssyncset.done $0x0  }
0xb4: {  	[sflag:s16] =	ssyncadd.s32 $0xFFFFFF80  }
0xb5: {  	v3 =	vld [tilespmem:$0x18200]  }
0xb6: {  	v34 =	vld [tilespmem:$0x18100]  }
0xb7: {  	v35 =	vld [tilespmem:$0x18210]  }
0xb8: {  	v36 =	vld [tilespmem:$0x18110]  }
0xb9: {  	v37 =	vld [tilespmem:$0x18220]  }
0xba: {  	v38 =	vld [tilespmem:$0x18120]  }
0xbb: {  	v39 =	vld [tilespmem:$0x18230]  }
0xbc: {  	v40 =	vld [tilespmem:$0x18130]  }
0xbd: {  	v41 =	vld [tilespmem:$0x18240]  }
0xbe: {  	v42 =	vld [tilespmem:$0x18140]  }
0xbf: {  	v43 =	vld [tilespmem:$0x18250]  }
0xc0: {  	v44 =	vld [tilespmem:$0x18150]  }
0xc1: {  	v45 =	vld [tilespmem:$0x18260];
	v3 =	vadd.f32 v34, v3  }
0xc2: {  	v46 =	vld [tilespmem:$0x18160]  }
0xc3: {  	v47 =	vld [tilespmem:$0x18270];
	v3 =	vsub.f32 v3, v1  }
0xc4: {  	v48 =	vld [tilespmem:$0x18170];
	v5 =	vadd.f32 v36, v35  }
0xc5: {  	v7 =	vadd.f32 v38, v37;
	v9 =	vadd.f32 v40, v39;
	v3 =	vmul.f32 $1.442695020e+00, v3  }
0xc6: {  	v4 =	vadd.f32 v44, v43;
	v5 =	vsub.f32 v5, v1  }
0xc7: {  	v7 =	vsub.f32 v7, v1;
	(erf) = vpow2.f32 v3;
	v3 =	vadd.f32 v42, v41  }
0xc8: {  	v6 =	vadd.f32 v46, v45;
	v49 =	vsub.f32 v9, v1;
	v5 =	vmul.f32 $1.442695020e+00, v5  }
0xc9: {  	v8 =	vadd.f32 v48, v47;
	v7 =	vmul.f32 $1.442695020e+00, v7;
	v3 =	vsub.f32 v3, v1  }
0xca: {  	v4 =	vsub.f32 v4, v1;
	(erf) = vpow2.f32 v5;
	v5 =	vmul.f32 $1.442695020e+00, v49  }
0xcb: {  	v6 =	vsub.f32 v6, v1;
	(erf) = vpow2.f32 v7;
	v3 =	vmul.f32 $1.442695020e+00, v3  }
0xcc: {  	v4 =	vmul.f32 $1.442695020e+00, v4;
	v1 =	vsub.f32 v8, v1;
	(erf) = vpow2.f32 v5  }
0xcd: {  	(erf) = vpow2.f32 v3;
	v3 =	vmul.f32 $1.442695020e+00, v6  }
0xce: {  	v1 =	vmul.f32 $1.442695020e+00, v1;
	(erf) = vpow2.f32 v4  }
0xcf: {  	(erf) = vpow2.f32 v3  }
0xd0: {  	(erf) = vpow2.f32 v1;
	_ =	sdelay $0x1  }
0xd1: {  	v1 =	vpop (erf)  }
0xd2: {  	v3 =	vpop (erf);
	v1 =	vmul.f32 v1, v2  }
0xd3: {  	v50 =	vpop (erf);
	v3 =	vmul.f32 v3, v2  }
0xd4: {  	v5 =	vpop (erf);
	v51 =	vsub.f32 $1.000000000e+00, v1;
	v4 =	vmul.f32 v50, v2  }
0xd5: {  	v53 =	vsub.f32 $1.000000000e+00, v3;
	v5 =	vmul.f32 v5, v2;
	v52 =	vpop (erf)  }
0xd6: {  	v1 =	vadd.f32 v51, v1;
	v55 =	vsub.f32 $1.000000000e+00, v4;
	v54 =	vpop (erf);
	v7 =	vmul.f32 v52, v2  }
0xd7: {  	v3 =	vadd.f32 v53, v3;
	v56 =	vsub.f32 $1.000000000e+00, v5;
	v9 =	vmul.f32 v54, v2;
	v57 =	vpop (erf)  }
0xd8: {  	[tilespmem:$0x18280] =	vst v1;
	v1 =	vadd.f32 v55, v4;
	v58 =	vsub.f32 $1.000000000e+00, v7;
	v59 =	vmul.f32 v57, v2;
	v60 =	vpop (erf)  }
0xd9: {  	[tilespmem:$0x18290] =	vst v3;
	v3 =	vadd.f32 v56, v5;
	v2 =	vmul.f32 v60, v2;
	v61 =	vsub.f32 $1.000000000e+00, v9  }
0xda: {  	[tilespmem:$0x182A0] =	vst v1;
	v1 =	vadd.f32 v58, v7;
	v62 =	vsub.f32 $1.000000000e+00, v59  }
0xdb: {  	[tilespmem:$0x182B0] =	vst v3;
	v3 =	vadd.f32 v61, v9;
	v63 =	vsub.f32 $1.000000000e+00, v2  }
0xdc: {  	[tilespmem:$0x182C0] =	vst v1;
	v1 =	vadd.f32 v62, v59  }
0xdd: {  	s25 =	sadd.s32 $0x1, s25;
	[tilespmem:$0x182D0] =	vst v3;
	v2 =	vadd.f32 v63, v2  }
0xde: {  	p0 =	sne.s32 s25, s12;
	[tilespmem:$0x182E0] =	vst v1  }
.Ltmp3:
0xdf: {  	[tilespmem:$0x182F0] =	vst v2;
	(pc) =	sbr.rel @p0 .LBB2_2-.Ltmp3, $4  }
0xe0: {  	[hbm4b:s9+s4] =	stream.linear.scatter [tilespmem:s24], [sflag:$0x3], $0x80, $0x38;
	[tilespmem:$0x18300] =	vst v63  }
0xe1: {  	_ =	swait.ge [sflag:s14], $0x80  }
0xe2: {  	[sflag:s14] =	ssyncset.done $0x0  }
0xe3: {  	[sflag:s14] =	ssyncadd.s32 $0xFFFFFF80  }
.LBB2_7:
0xe4: {  	_ =	sfence.sel $0x180000  }
0xe5: {  	[bflag:$0x0] =	sbarrier.arrive $0xFFFF  }
0xe6: {  	p0 =	sne.s32 s2, $0x0;
	_ =	strace $0x90000047  }
0xe7: {  	s0 =	sadd.s32 @!p0 $0x100000, s0;
	[bflag:$0x2] =	sbarrier.arrive $0xFFFF  }
0xe8: {  	[sflag:s0] =	ssyncadd.tile.s32 @!p0 $0x1;
	_ =	shalt  }
.Lfunc_end2:
_tile_overlayer_lowered:
.L_overlay_start_2:
0xe9: {  	(tag) =	ssettag $0x2  }
0xea: {  	s0 =	rddreg [dreg:$0x0];
	s2 =	stileid.u32  }
0xeb: {  	s1 =	rddreg [dreg:$0x1];
	p0 =	sne.s32 s2, $0x0  }
0xec: {  	s3 =	rddreg [dreg:$0x2];
	[bflag:$0x3] =	sbarrier.arrive $0xFFFF;
	s2 =	simm.s32 @!p0 $0x1C03  }
0xed: {  	[timem:s3], [sflag:s2] =	dma.local @!p0 [hbm:s0], s1  }
0xee: {  	s0 =	simm.s32 @!p0 $0x3  }
0xef: {  	_ =	swait.ge @!p0 [sflag:s0], s1  }
0xf0: {  	s1 =	ssub.s32 @!p0 $0x0, s1;
	[sflag:s0] =	ssyncset.done @!p0 $0x0  }
0xf1: {  	[sflag:s0] =	ssyncadd.s32 @!p0 s1  }
0xf2: {  	[bflag:$0x3] =	sbarrier.arrive $0xFFFF  }
0xf3: {  	_ =	shalt  }

</sc_bundles>
